<compile_context>
chip_gen: v7x
topology: tpu7x:2x2x1
jax: 0.10.2.dev20260603
libtpu: 0.0.44.dev20260713+nightly
codegen_flags: <defaults>
</compile_context>

<pallas_src>
import jax
import jax.numpy as jnp
import numpy as np
from jax import lax
from jax.experimental import pallas as pl
from jax.experimental.pallas import tpu as pltpu
from jax.experimental.pallas import tpu_sc as plsc

VOCAB = 100000
D_MODEL = 1024
BATCH = 4
SEQ = 2048
N_TOKENS = 20

_NC = 2
_NS = 16
_NW = _NC * _NS
_ROWS = BATCH * SEQ
_RPW = _ROWS // _NW
_CH = 32
_NCHUNK = _RPW // _CH
_WPB = SEQ // _RPW
_PSTRIDE = 32
_PN = 24
_NBUF = 2
_CHUNKS = ((0, 64), (64, 56), (120, 64), (184, 56), (240, 16))


def _body(idx_hbm, wte_hbm, learned_hbm, pidx_hbm, out_hbm,
          idx_v, rows0_v, rows1_v, pidx_v,
          gsem0, gsem1, ssem0, ssem1, psem):
    wid = lax.axis_index("s") * _NC + lax.axis_index("c")
    base = wid * _RPW
    owns_prompt = wid % _WPB == 0
    b = wid // _WPB

    pltpu.sync_copy(idx_hbm.at[pl.ds(base, _RPW)], idx_v)

    bufs = (rows0_v, rows1_v)
    gsems = (gsem0, gsem1)
    ssems = (ssem0, ssem1)

    def gather_desc(j):
        off, sz = _CHUNKS[j]
        n = j % _NBUF
        return pltpu.make_async_copy(
            wte_hbm.at[idx_v.at[pl.ds(off, sz)]], bufs[n].at[pl.ds(0, sz)],
            gsems[n])

    def scatter_desc(j):
        off, sz = _CHUNKS[j]
        n = j % _NBUF
        return pltpu.make_async_copy(
            bufs[n].at[pl.ds(0, sz)], out_hbm.at[pl.ds(base + off, sz)],
            ssems[n])

    nch = len(_CHUNKS)
    for j in range(_NBUF):
        gather_desc(j).start()
    for j in range(nch):
        gather_desc(j).wait()
        scatter_desc(j).start()
        if j + _NBUF < nch:
            scatter_desc(j).wait()
            gather_desc(j + _NBUF).start()
    for j in range(max(0, nch - _NBUF), nch):
        scatter_desc(j).wait()

    @pl.when(owns_prompt)
    def _():
        pltpu.sync_copy(pidx_hbm.at[pl.ds(b * _PSTRIDE, _PN)], pidx_v)
        pltpu.sync_copy(learned_hbm, rows0_v.at[pl.ds(0, _PN)])
        pltpu.async_copy(rows0_v.at[pl.ds(0, _PN)], out_hbm.at[pidx_v],
                         psem).wait()


@jax.jit
def _soft_embedding(tokens, wte_weight, learned_embedding):
    idx = tokens.reshape(_ROWS)
    t = np.arange(_PSTRIDE, dtype=np.int32) % N_TOKENS
    pidx = jnp.asarray(
        (np.arange(BATCH, dtype=np.int32)[:, None] * SEQ + 1 + t[None, :]
         ).reshape(BATCH * _PSTRIDE))
    learned_pad = learned_embedding[
        jnp.arange(_PN, dtype=jnp.int32) % N_TOKENS
    ]
    mesh = plsc.VectorSubcoreMesh(core_axis_name="c", subcore_axis_name="s")
    out = pl.kernel(
        _body,
        out_type=jax.ShapeDtypeStruct((_ROWS, D_MODEL), jnp.float32),
        mesh=mesh,
        scratch_types=[
            pltpu.VMEM((_RPW,), jnp.int32),
            pltpu.VMEM((_CHUNKS[0][1], D_MODEL), jnp.float32),
            pltpu.VMEM((_CHUNKS[1][1], D_MODEL), jnp.float32),
            pltpu.VMEM((_PN,), jnp.int32),
            pltpu.SemaphoreType.DMA,
            pltpu.SemaphoreType.DMA,
            pltpu.SemaphoreType.DMA,
            pltpu.SemaphoreType.DMA,
            pltpu.SemaphoreType.DMA,
        ],
    )(idx, wte_weight, learned_pad, pidx)
    return out.reshape(BATCH, SEQ, D_MODEL)


def kernel(tokens, wte_weight, learned_embedding):
    return _soft_embedding(tokens, wte_weight, learned_embedding)

# --- scband reference (transcript-rebuilt; emitter-appended) ---
"""Pipeline reference for scband-soft-embedding-4561255268684 (READ-ONLY COPY).

The authoritative reference and input builder live on the scoring server;
editing this copy changes nothing except your own understanding.
"""

import jax, jax.numpy as jnp
import numpy as np

VOCAB = 100000
D_MODEL = 1024
BATCH = 4
SEQ = 2048
N_TOKENS = 20
PT_ID = 1


def setup_inputs(seed: int = 0) -> dict:
    key = jax.random.key(seed)
    k1, k2 = jax.random.split(key)
    # fill=arange: tokens[0,0]=0 != PT_ID, tokens[0,1]=1 == PT_ID, all values < VOCAB
    tokens = jnp.arange(BATCH * SEQ, dtype=jnp.int32).reshape(BATCH, SEQ)
    wte_weight = jax.random.normal(k1, (VOCAB, D_MODEL), dtype=jnp.float32) * 0.02
    learned_embedding = jax.random.uniform(k2, (N_TOKENS, D_MODEL), dtype=jnp.float32, minval=-0.5, maxval=0.5)
    return {"tokens": tokens, "wte_weight": wte_weight, "learned_embedding": learned_embedding}


def reference(tokens, wte_weight, learned_embedding):
    # Faithful translation of SoftEmbedding.forward
    if tokens.shape[1] == 1:
        return jnp.take(wte_weight, tokens, axis=0)
    # learned_embedding.repeat(B, 1, 1)
    learned_rep = jnp.broadcast_to(
        learned_embedding[None, :, :], (tokens.shape[0], N_TOKENS, learned_embedding.shape[1])
    )
    input_embedding_left = jnp.take(wte_weight, tokens[:, :1], axis=0)
    input_embedding_right = jnp.take(wte_weight, tokens[:, N_TOKENS + 1:], axis=0)
    return jnp.concatenate([input_embedding_left, learned_rep, input_embedding_right], axis=1)

if __name__ == "__main__":
    import jax
    _d = setup_inputs()
    print(jax.jit(kernel)(*tuple(_d.values())))

</pallas_src>

<mosaic_0001>
#map = affine_map<(d0, d1) -> (0)>
#map1 = affine_map<(d0, d1) -> (0, 0)>
module attributes {stable_mosaic.version = 14 : i64} {
  func.func @_body(%arg0: i32, %arg1: i32, %arg2: memref<8192xi32, #tpu.memory_space<hbm>>, %arg3: memref<100000x1024xf32, #tpu.memory_space<hbm>>, %arg4: memref<24x1024xf32, #tpu.memory_space<hbm>>, %arg5: memref<128xi32, #tpu.memory_space<hbm>>, %arg6: memref<8192x1024xf32, #tpu.memory_space<hbm>>, %arg7: memref<256xi32, #tpu.memory_space<vmem>>, %arg8: memref<64x1024xf32, #tpu.memory_space<vmem>>, %arg9: memref<56x1024xf32, #tpu.memory_space<vmem>>, %arg10: memref<24xi32, #tpu.memory_space<vmem>>, %arg11: memref<!tpu.dma_semaphore, #tpu.memory_space<semaphore_mem>>, %arg12: memref<!tpu.dma_semaphore, #tpu.memory_space<semaphore_mem>>, %arg13: memref<!tpu.dma_semaphore, #tpu.memory_space<semaphore_mem>>, %arg14: memref<!tpu.dma_semaphore, #tpu.memory_space<semaphore_mem>>, %arg15: memref<!tpu.dma_semaphore, #tpu.memory_space<semaphore_mem>>) attributes {dimension_semantics = [#tpu.dimension_semantics<core_parallel>, #tpu.dimension_semantics<subcore_parallel>], iteration_bounds = array<i64: 2, 16>, scalar_prefetch = 0 : i64, scratch_operands = 9 : i64, tpu.core_type = #tpu.core_type<sc_vector_subcore>, window_params = [{transform_indices = #map}, {transform_indices = #map1}, {transform_indices = #map1}, {transform_indices = #map}, {transform_indices = #map1}]} {
    %mul3A = arith.constant 2 : i32
    %mul3A_0 = arith.muli %arg1, %mul3A : i32
    %add3A = arith.addi %mul3A_0, %arg0 : i32
    %mul3A_1 = arith.constant 256 : i32
    %mul3A_2 = arith.muli %add3A, %mul3A_1 : i32
    %jit3A = arith.constant 8 : i32
    %eq3A = arith.constant 0 : i32
    %eq3A_3 = arith.cmpi eq, %jit3A, %eq3A : i32
    %jit3A_4 = arith.constant 1 : i32
    %select_n3A = arith.select %eq3A_3, %jit3A_4, %jit3A : i32
    %rem3A = arith.remsi %add3A, %select_n3A : i32
    %ne3A = arith.constant 0 : i32
    %ne3A_5 = arith.cmpi ne, %rem3A, %ne3A : i32
    %lt3A = arith.constant 0 : i32
    %lt3A_6 = arith.cmpi slt, %rem3A, %lt3A : i32
    %lt3A_7 = arith.constant 0 : i32
    %lt3A_8 = arith.cmpi slt, %select_n3A, %lt3A_7 : i32
    %ne3A_9 = arith.xori %lt3A_6, %lt3A_8 : i1
    %and3A = arith.andi %ne3A_9, %ne3A_5 : i1
    %add3A_10 = arith.addi %rem3A, %select_n3A : i32
    %select_n3A_11 = arith.select %and3A, %add3A_10, %rem3A : i32
    %eq3A_12 = arith.constant 0 : i32
    %eq3A_13 = arith.cmpi eq, %select_n3A_11, %eq3A_12 : i32
    %jit3A_14 = arith.constant 8 : i32
    %div3A = arith.divsi %add3A, %jit3A_14 : i32
    %sign3A = arith.constant 0 : i32
    %sign3A_15 = arith.cmpi sgt, %add3A, %sign3A : i32
    %sign3A_16 = arith.extui %sign3A_15 : i1 to i32
    %sign3A_17 = arith.constant 0 : i32
    %sign3A_18 = arith.cmpi slt, %add3A, %sign3A_17 : i32
    %sign3A_19 = arith.extui %sign3A_18 : i1 to i32
    %sign3A_20 = arith.subi %sign3A_16, %sign3A_19 : i32
    %sign3A_21 = arith.constant 0 : i32
    %sign3A_22 = arith.cmpi sgt, %jit3A_14, %sign3A_21 : i32
    %sign3A_23 = arith.extui %sign3A_22 : i1 to i32
    %sign3A_24 = arith.constant 0 : i32
    %sign3A_25 = arith.cmpi slt, %jit3A_14, %sign3A_24 : i32
    %sign3A_26 = arith.extui %sign3A_25 : i1 to i32
    %sign3A_27 = arith.subi %sign3A_23, %sign3A_26 : i32
    %ne3A_28 = arith.cmpi ne, %sign3A_20, %sign3A_27 : i32
    %rem3A_29 = arith.remsi %add3A, %jit3A_14 : i32
    %ne3A_30 = arith.constant 0 : i32
    %ne3A_31 = arith.cmpi ne, %rem3A_29, %ne3A_30 : i32
    %and3A_32 = arith.andi %ne3A_28, %ne3A_31 : i1
    %sub3A = arith.constant 1 : i32
    %sub3A_33 = arith.subi %div3A, %sub3A : i32
    %select_n3A_34 = arith.select %and3A_32, %sub3A_33, %div3A : i32
    "tpu.region"() ({
      %run_scoped3A = tpu.sem_alloc : memref<!tpu.dma_semaphore, #tpu.memory_space<semaphore_mem>>
      %dma_start3A_234 = tpu.memref_slice %arg2[%mul3A_2] : memref<8192xi32, #tpu.memory_space<hbm>> -> memref<256xi32, #tpu.memory_space<hbm>>
      %dma_start3A_235 = tpu.memref_slice %arg2[%mul3A_2] : memref<8192xi32, #tpu.memory_space<hbm>> -> memref<256xi32, #tpu.memory_space<hbm>>
      tpu.enqueue_dma source(%dma_start3A_235 : memref<256xi32, #tpu.memory_space<hbm>>) target(%arg7 : memref<256xi32, #tpu.memory_space<vmem>>) target_semaphore(%run_scoped3A : memref<!tpu.dma_semaphore, #tpu.memory_space<semaphore_mem>>)
      %dma_wait3A_236 = tpu.memref_slice %arg2[%mul3A_2] : memref<8192xi32, #tpu.memory_space<hbm>> -> memref<256xi32, #tpu.memory_space<hbm>>
      %dma_wait3A_237 = tpu.memref_slice %arg2[%mul3A_2] : memref<8192xi32, #tpu.memory_space<hbm>> -> memref<256xi32, #tpu.memory_space<hbm>>
      tpu.wait_dma2 semaphore(%run_scoped3A : memref<!tpu.dma_semaphore, #tpu.memory_space<semaphore_mem>>) src(%dma_wait3A_237 : memref<256xi32, #tpu.memory_space<hbm>>) dst(%arg7 : memref<256xi32, #tpu.memory_space<vmem>>)
      tpu.yield
    }) : () -> ()
    %dma_start3A = arith.constant 0 : i32
    %dma_start3A_35 = arith.constant 0 : i32
    %dma_start3A_36 = tpu.memref_slice %arg8[%dma_start3A, %dma_start3A_35] : memref<64x1024xf32, #tpu.memory_space<vmem>> -> memref<64x1024xf32, #tpu.memory_space<vmem>>
    %dma_start3A_37 = arith.constant 0 : i32
    %dma_start3A_38 = tpu.memref_slice %arg7[%dma_start3A_37] : memref<256xi32, #tpu.memory_space<vmem>> -> memref<64xi32, #tpu.memory_space<vmem>>
    %dma_start3A_39 = arith.constant 0 : i32
    %dma_start3A_40 = arith.constant 0 : i32
    %dma_start3A_41 = tpu.memref_slice %arg3[%dma_start3A_39, %dma_start3A_40] : memref<100000x1024xf32, #tpu.memory_space<hbm>> -> memref<100000x1024xf32, #tpu.memory_space<hbm>>
    tpu.enqueue_indirect_dma source(%dma_start3A_41 : memref<100000x1024xf32, #tpu.memory_space<hbm>>) target(%dma_start3A_36 : memref<64x1024xf32, #tpu.memory_space<vmem>>) offsets(%dma_start3A_38 : memref<64xi32, #tpu.memory_space<vmem>>) semaphore(%arg11 : memref<!tpu.dma_semaphore, #tpu.memory_space<semaphore_mem>>)
    %dma_start3A_42 = arith.constant 0 : i32
    %dma_start3A_43 = arith.constant 0 : i32
    %dma_start3A_44 = tpu.memref_slice %arg9[%dma_start3A_42, %dma_start3A_43] : memref<56x1024xf32, #tpu.memory_space<vmem>> -> memref<56x1024xf32, #tpu.memory_space<vmem>>
    %dma_start3A_45 = arith.constant 64 : i32
    %dma_start3A_46 = tpu.memref_slice %arg7[%dma_start3A_45] : memref<256xi32, #tpu.memory_space<vmem>> -> memref<56xi32, #tpu.memory_space<vmem>>
    %dma_start3A_47 = arith.constant 0 : i32
    %dma_start3A_48 = arith.constant 0 : i32
    %dma_start3A_49 = tpu.memref_slice %arg3[%dma_start3A_47, %dma_start3A_48] : memref<100000x1024xf32, #tpu.memory_space<hbm>> -> memref<100000x1024xf32, #tpu.memory_space<hbm>>
    tpu.enqueue_indirect_dma source(%dma_start3A_49 : memref<100000x1024xf32, #tpu.memory_space<hbm>>) target(%dma_start3A_44 : memref<56x1024xf32, #tpu.memory_space<vmem>>) offsets(%dma_start3A_46 : memref<56xi32, #tpu.memory_space<vmem>>) semaphore(%arg12 : memref<!tpu.dma_semaphore, #tpu.memory_space<semaphore_mem>>)
    %dma_wait3A = arith.constant 0 : i32
    %dma_wait3A_50 = arith.constant 0 : i32
    %dma_wait3A_51 = tpu.memref_slice %arg8[%dma_wait3A, %dma_wait3A_50] : memref<64x1024xf32, #tpu.memory_space<vmem>> -> memref<64x1024xf32, #tpu.memory_space<vmem>>
    %dma_wait3A_52 = arith.constant 0 : i32
    %dma_wait3A_53 = tpu.memref_slice %arg7[%dma_wait3A_52] : memref<256xi32, #tpu.memory_space<vmem>> -> memref<64xi32, #tpu.memory_space<vmem>>
    %dma_wait3A_54 = arith.constant 0 : i32
    %dma_wait3A_55 = arith.constant 0 : i32
    %dma_wait3A_56 = tpu.memref_slice %arg3[%dma_wait3A_54, %dma_wait3A_55] : memref<100000x1024xf32, #tpu.memory_space<hbm>> -> memref<100000x1024xf32, #tpu.memory_space<hbm>>
    tpu.wait_indirect_dma semaphore(%arg11 : memref<!tpu.dma_semaphore, #tpu.memory_space<semaphore_mem>>) src(%dma_wait3A_56 : memref<100000x1024xf32, #tpu.memory_space<hbm>>) dst(%dma_wait3A_51 : memref<64x1024xf32, #tpu.memory_space<vmem>>)
    %add3A_57 = arith.constant 0 : i32
    %add3A_58 = arith.addi %mul3A_2, %add3A_57 : i32
    %dma_start3A_59 = arith.constant 0 : i32
    %dma_start3A_60 = arith.constant 0 : i32
    %dma_start3A_61 = tpu.memref_slice %arg8[%dma_start3A_59, %dma_start3A_60] : memref<64x1024xf32, #tpu.memory_space<vmem>> -> memref<64x1024xf32, #tpu.memory_space<vmem>>
    %dma_start3A_62 = arith.constant 0 : i32
    %dma_start3A_63 = tpu.memref_slice %arg6[%add3A_58, %dma_start3A_62] : memref<8192x1024xf32, #tpu.memory_space<hbm>> -> memref<64x1024xf32, #tpu.memory_space<hbm>>
    %dma_start3A_64 = arith.constant 0 : i32
    %dma_start3A_65 = tpu.memref_slice %arg6[%add3A_58, %dma_start3A_64] : memref<8192x1024xf32, #tpu.memory_space<hbm>> -> memref<64x1024xf32, #tpu.memory_space<hbm>>
    %dma_start3A_66 = arith.constant 0 : i32
    %dma_start3A_67 = arith.constant 0 : i32
    %dma_start3A_68 = tpu.memref_slice %arg8[%dma_start3A_66, %dma_start3A_67] : memref<64x1024xf32, #tpu.memory_space<vmem>> -> memref<64x1024xf32, #tpu.memory_space<vmem>>
    tpu.enqueue_dma source(%dma_start3A_68 : memref<64x1024xf32, #tpu.memory_space<vmem>>) target(%dma_start3A_65 : memref<64x1024xf32, #tpu.memory_space<hbm>>) target_semaphore(%arg13 : memref<!tpu.dma_semaphore, #tpu.memory_space<semaphore_mem>>)
    %add3A_69 = arith.constant 0 : i32
    %add3A_70 = arith.addi %mul3A_2, %add3A_69 : i32
    %dma_wait3A_71 = arith.constant 0 : i32
    %dma_wait3A_72 = arith.constant 0 : i32
    %dma_wait3A_73 = tpu.memref_slice %arg8[%dma_wait3A_71, %dma_wait3A_72] : memref<64x1024xf32, #tpu.memory_space<vmem>> -> memref<64x1024xf32, #tpu.memory_space<vmem>>
    %dma_wait3A_74 = arith.constant 0 : i32
    %dma_wait3A_75 = tpu.memref_slice %arg6[%add3A_70, %dma_wait3A_74] : memref<8192x1024xf32, #tpu.memory_space<hbm>> -> memref<64x1024xf32, #tpu.memory_space<hbm>>
    %dma_wait3A_76 = arith.constant 0 : i32
    %dma_wait3A_77 = tpu.memref_slice %arg6[%add3A_70, %dma_wait3A_76] : memref<8192x1024xf32, #tpu.memory_space<hbm>> -> memref<64x1024xf32, #tpu.memory_space<hbm>>
    %dma_wait3A_78 = arith.constant 0 : i32
    %dma_wait3A_79 = arith.constant 0 : i32
    %dma_wait3A_80 = tpu.memref_slice %arg8[%dma_wait3A_78, %dma_wait3A_79] : memref<64x1024xf32, #tpu.memory_space<vmem>> -> memref<64x1024xf32, #tpu.memory_space<vmem>>
    tpu.wait_dma2 semaphore(%arg13 : memref<!tpu.dma_semaphore, #tpu.memory_space<semaphore_mem>>) src(%dma_wait3A_80 : memref<64x1024xf32, #tpu.memory_space<vmem>>) dst(%dma_wait3A_77 : memref<64x1024xf32, #tpu.memory_space<hbm>>)
    %dma_start3A_81 = arith.constant 0 : i32
    %dma_start3A_82 = arith.constant 0 : i32
    %dma_start3A_83 = tpu.memref_slice %arg8[%dma_start3A_81, %dma_start3A_82] : memref<64x1024xf32, #tpu.memory_space<vmem>> -> memref<64x1024xf32, #tpu.memory_space<vmem>>
    %dma_start3A_84 = arith.constant 120 : i32
    %dma_start3A_85 = tpu.memref_slice %arg7[%dma_start3A_84] : memref<256xi32, #tpu.memory_space<vmem>> -> memref<64xi32, #tpu.memory_space<vmem>>
    %dma_start3A_86 = arith.constant 0 : i32
    %dma_start3A_87 = arith.constant 0 : i32
    %dma_start3A_88 = tpu.memref_slice %arg3[%dma_start3A_86, %dma_start3A_87] : memref<100000x1024xf32, #tpu.memory_space<hbm>> -> memref<100000x1024xf32, #tpu.memory_space<hbm>>
    tpu.enqueue_indirect_dma source(%dma_start3A_88 : memref<100000x1024xf32, #tpu.memory_space<hbm>>) target(%dma_start3A_83 : memref<64x1024xf32, #tpu.memory_space<vmem>>) offsets(%dma_start3A_85 : memref<64xi32, #tpu.memory_space<vmem>>) semaphore(%arg11 : memref<!tpu.dma_semaphore, #tpu.memory_space<semaphore_mem>>)
    %dma_wait3A_89 = arith.constant 0 : i32
    %dma_wait3A_90 = arith.constant 0 : i32
    %dma_wait3A_91 = tpu.memref_slice %arg9[%dma_wait3A_89, %dma_wait3A_90] : memref<56x1024xf32, #tpu.memory_space<vmem>> -> memref<56x1024xf32, #tpu.memory_space<vmem>>
    %dma_wait3A_92 = arith.constant 64 : i32
    %dma_wait3A_93 = tpu.memref_slice %arg7[%dma_wait3A_92] : memref<256xi32, #tpu.memory_space<vmem>> -> memref<56xi32, #tpu.memory_space<vmem>>
    %dma_wait3A_94 = arith.constant 0 : i32
    %dma_wait3A_95 = arith.constant 0 : i32
    %dma_wait3A_96 = tpu.memref_slice %arg3[%dma_wait3A_94, %dma_wait3A_95] : memref<100000x1024xf32, #tpu.memory_space<hbm>> -> memref<100000x1024xf32, #tpu.memory_space<hbm>>
    tpu.wait_indirect_dma semaphore(%arg12 : memref<!tpu.dma_semaphore, #tpu.memory_space<semaphore_mem>>) src(%dma_wait3A_96 : memref<100000x1024xf32, #tpu.memory_space<hbm>>) dst(%dma_wait3A_91 : memref<56x1024xf32, #tpu.memory_space<vmem>>)
    %add3A_97 = arith.constant 64 : i32
    %add3A_98 = arith.addi %mul3A_2, %add3A_97 : i32
    %dma_start3A_99 = arith.constant 0 : i32
    %dma_start3A_100 = arith.constant 0 : i32
    %dma_start3A_101 = tpu.memref_slice %arg9[%dma_start3A_99, %dma_start3A_100] : memref<56x1024xf32, #tpu.memory_space<vmem>> -> memref<56x1024xf32, #tpu.memory_space<vmem>>
    %dma_start3A_102 = arith.constant 0 : i32
    %dma_start3A_103 = tpu.memref_slice %arg6[%add3A_98, %dma_start3A_102] : memref<8192x1024xf32, #tpu.memory_space<hbm>> -> memref<56x1024xf32, #tpu.memory_space<hbm>>
    %dma_start3A_104 = arith.constant 0 : i32
    %dma_start3A_105 = tpu.memref_slice %arg6[%add3A_98, %dma_start3A_104] : memref<8192x1024xf32, #tpu.memory_space<hbm>> -> memref<56x1024xf32, #tpu.memory_space<hbm>>
    %dma_start3A_106 = arith.constant 0 : i32
    %dma_start3A_107 = arith.constant 0 : i32
    %dma_start3A_108 = tpu.memref_slice %arg9[%dma_start3A_106, %dma_start3A_107] : memref<56x1024xf32, #tpu.memory_space<vmem>> -> memref<56x1024xf32, #tpu.memory_space<vmem>>
    tpu.enqueue_dma source(%dma_start3A_108 : memref<56x1024xf32, #tpu.memory_space<vmem>>) target(%dma_start3A_105 : memref<56x1024xf32, #tpu.memory_space<hbm>>) target_semaphore(%arg14 : memref<!tpu.dma_semaphore, #tpu.memory_space<semaphore_mem>>)
    %add3A_109 = arith.constant 64 : i32
    %add3A_110 = arith.addi %mul3A_2, %add3A_109 : i32
    %dma_wait3A_111 = arith.constant 0 : i32
    %dma_wait3A_112 = arith.constant 0 : i32
    %dma_wait3A_113 = tpu.memref_slice %arg9[%dma_wait3A_111, %dma_wait3A_112] : memref<56x1024xf32, #tpu.memory_space<vmem>> -> memref<56x1024xf32, #tpu.memory_space<vmem>>
    %dma_wait3A_114 = arith.constant 0 : i32
    %dma_wait3A_115 = tpu.memref_slice %arg6[%add3A_110, %dma_wait3A_114] : memref<8192x1024xf32, #tpu.memory_space<hbm>> -> memref<56x1024xf32, #tpu.memory_space<hbm>>
    %dma_wait3A_116 = arith.constant 0 : i32
    %dma_wait3A_117 = tpu.memref_slice %arg6[%add3A_110, %dma_wait3A_116] : memref<8192x1024xf32, #tpu.memory_space<hbm>> -> memref<56x1024xf32, #tpu.memory_space<hbm>>
    %dma_wait3A_118 = arith.constant 0 : i32
    %dma_wait3A_119 = arith.constant 0 : i32
    %dma_wait3A_120 = tpu.memref_slice %arg9[%dma_wait3A_118, %dma_wait3A_119] : memref<56x1024xf32, #tpu.memory_space<vmem>> -> memref<56x1024xf32, #tpu.memory_space<vmem>>
    tpu.wait_dma2 semaphore(%arg14 : memref<!tpu.dma_semaphore, #tpu.memory_space<semaphore_mem>>) src(%dma_wait3A_120 : memref<56x1024xf32, #tpu.memory_space<vmem>>) dst(%dma_wait3A_117 : memref<56x1024xf32, #tpu.memory_space<hbm>>)
    %dma_start3A_121 = arith.constant 0 : i32
    %dma_start3A_122 = arith.constant 0 : i32
    %dma_start3A_123 = tpu.memref_slice %arg9[%dma_start3A_121, %dma_start3A_122] : memref<56x1024xf32, #tpu.memory_space<vmem>> -> memref<56x1024xf32, #tpu.memory_space<vmem>>
    %dma_start3A_124 = arith.constant 184 : i32
    %dma_start3A_125 = tpu.memref_slice %arg7[%dma_start3A_124] : memref<256xi32, #tpu.memory_space<vmem>> -> memref<56xi32, #tpu.memory_space<vmem>>
    %dma_start3A_126 = arith.constant 0 : i32
    %dma_start3A_127 = arith.constant 0 : i32
    %dma_start3A_128 = tpu.memref_slice %arg3[%dma_start3A_126, %dma_start3A_127] : memref<100000x1024xf32, #tpu.memory_space<hbm>> -> memref<100000x1024xf32, #tpu.memory_space<hbm>>
    tpu.enqueue_indirect_dma source(%dma_start3A_128 : memref<100000x1024xf32, #tpu.memory_space<hbm>>) target(%dma_start3A_123 : memref<56x1024xf32, #tpu.memory_space<vmem>>) offsets(%dma_start3A_125 : memref<56xi32, #tpu.memory_space<vmem>>) semaphore(%arg12 : memref<!tpu.dma_semaphore, #tpu.memory_space<semaphore_mem>>)
    %dma_wait3A_129 = arith.constant 0 : i32
    %dma_wait3A_130 = arith.constant 0 : i32
    %dma_wait3A_131 = tpu.memref_slice %arg8[%dma_wait3A_129, %dma_wait3A_130] : memref<64x1024xf32, #tpu.memory_space<vmem>> -> memref<64x1024xf32, #tpu.memory_space<vmem>>
    %dma_wait3A_132 = arith.constant 120 : i32
    %dma_wait3A_133 = tpu.memref_slice %arg7[%dma_wait3A_132] : memref<256xi32, #tpu.memory_space<vmem>> -> memref<64xi32, #tpu.memory_space<vmem>>
    %dma_wait3A_134 = arith.constant 0 : i32
    %dma_wait3A_135 = arith.constant 0 : i32
    %dma_wait3A_136 = tpu.memref_slice %arg3[%dma_wait3A_134, %dma_wait3A_135] : memref<100000x1024xf32, #tpu.memory_space<hbm>> -> memref<100000x1024xf32, #tpu.memory_space<hbm>>
    tpu.wait_indirect_dma semaphore(%arg11 : memref<!tpu.dma_semaphore, #tpu.memory_space<semaphore_mem>>) src(%dma_wait3A_136 : memref<100000x1024xf32, #tpu.memory_space<hbm>>) dst(%dma_wait3A_131 : memref<64x1024xf32, #tpu.memory_space<vmem>>)
    %add3A_137 = arith.constant 120 : i32
    %add3A_138 = arith.addi %mul3A_2, %add3A_137 : i32
    %dma_start3A_139 = arith.constant 0 : i32
    %dma_start3A_140 = arith.constant 0 : i32
    %dma_start3A_141 = tpu.memref_slice %arg8[%dma_start3A_139, %dma_start3A_140] : memref<64x1024xf32, #tpu.memory_space<vmem>> -> memref<64x1024xf32, #tpu.memory_space<vmem>>
    %dma_start3A_142 = arith.constant 0 : i32
    %dma_start3A_143 = tpu.memref_slice %arg6[%add3A_138, %dma_start3A_142] : memref<8192x1024xf32, #tpu.memory_space<hbm>> -> memref<64x1024xf32, #tpu.memory_space<hbm>>
    %dma_start3A_144 = arith.constant 0 : i32
    %dma_start3A_145 = tpu.memref_slice %arg6[%add3A_138, %dma_start3A_144] : memref<8192x1024xf32, #tpu.memory_space<hbm>> -> memref<64x1024xf32, #tpu.memory_space<hbm>>
    %dma_start3A_146 = arith.constant 0 : i32
    %dma_start3A_147 = arith.constant 0 : i32
    %dma_start3A_148 = tpu.memref_slice %arg8[%dma_start3A_146, %dma_start3A_147] : memref<64x1024xf32, #tpu.memory_space<vmem>> -> memref<64x1024xf32, #tpu.memory_space<vmem>>
    tpu.enqueue_dma source(%dma_start3A_148 : memref<64x1024xf32, #tpu.memory_space<vmem>>) target(%dma_start3A_145 : memref<64x1024xf32, #tpu.memory_space<hbm>>) target_semaphore(%arg13 : memref<!tpu.dma_semaphore, #tpu.memory_space<semaphore_mem>>)
    %add3A_149 = arith.constant 120 : i32
    %add3A_150 = arith.addi %mul3A_2, %add3A_149 : i32
    %dma_wait3A_151 = arith.constant 0 : i32
    %dma_wait3A_152 = arith.constant 0 : i32
    %dma_wait3A_153 = tpu.memref_slice %arg8[%dma_wait3A_151, %dma_wait3A_152] : memref<64x1024xf32, #tpu.memory_space<vmem>> -> memref<64x1024xf32, #tpu.memory_space<vmem>>
    %dma_wait3A_154 = arith.constant 0 : i32
    %dma_wait3A_155 = tpu.memref_slice %arg6[%add3A_150, %dma_wait3A_154] : memref<8192x1024xf32, #tpu.memory_space<hbm>> -> memref<64x1024xf32, #tpu.memory_space<hbm>>
    %dma_wait3A_156 = arith.constant 0 : i32
    %dma_wait3A_157 = tpu.memref_slice %arg6[%add3A_150, %dma_wait3A_156] : memref<8192x1024xf32, #tpu.memory_space<hbm>> -> memref<64x1024xf32, #tpu.memory_space<hbm>>
    %dma_wait3A_158 = arith.constant 0 : i32
    %dma_wait3A_159 = arith.constant 0 : i32
    %dma_wait3A_160 = tpu.memref_slice %arg8[%dma_wait3A_158, %dma_wait3A_159] : memref<64x1024xf32, #tpu.memory_space<vmem>> -> memref<64x1024xf32, #tpu.memory_space<vmem>>
    tpu.wait_dma2 semaphore(%arg13 : memref<!tpu.dma_semaphore, #tpu.memory_space<semaphore_mem>>) src(%dma_wait3A_160 : memref<64x1024xf32, #tpu.memory_space<vmem>>) dst(%dma_wait3A_157 : memref<64x1024xf32, #tpu.memory_space<hbm>>)
    %dma_start3A_161 = arith.constant 0 : i32
    %dma_start3A_162 = arith.constant 0 : i32
    %dma_start3A_163 = tpu.memref_slice %arg8[%dma_start3A_161, %dma_start3A_162] : memref<64x1024xf32, #tpu.memory_space<vmem>> -> memref<16x1024xf32, #tpu.memory_space<vmem>>
    %dma_start3A_164 = arith.constant 240 : i32
    %dma_start3A_165 = tpu.memref_slice %arg7[%dma_start3A_164] : memref<256xi32, #tpu.memory_space<vmem>> -> memref<16xi32, #tpu.memory_space<vmem>>
    %dma_start3A_166 = arith.constant 0 : i32
    %dma_start3A_167 = arith.constant 0 : i32
    %dma_start3A_168 = tpu.memref_slice %arg3[%dma_start3A_166, %dma_start3A_167] : memref<100000x1024xf32, #tpu.memory_space<hbm>> -> memref<100000x1024xf32, #tpu.memory_space<hbm>>
    tpu.enqueue_indirect_dma source(%dma_start3A_168 : memref<100000x1024xf32, #tpu.memory_space<hbm>>) target(%dma_start3A_163 : memref<16x1024xf32, #tpu.memory_space<vmem>>) offsets(%dma_start3A_165 : memref<16xi32, #tpu.memory_space<vmem>>) semaphore(%arg11 : memref<!tpu.dma_semaphore, #tpu.memory_space<semaphore_mem>>)
    %dma_wait3A_169 = arith.constant 0 : i32
    %dma_wait3A_170 = arith.constant 0 : i32
    %dma_wait3A_171 = tpu.memref_slice %arg9[%dma_wait3A_169, %dma_wait3A_170] : memref<56x1024xf32, #tpu.memory_space<vmem>> -> memref<56x1024xf32, #tpu.memory_space<vmem>>
    %dma_wait3A_172 = arith.constant 184 : i32
    %dma_wait3A_173 = tpu.memref_slice %arg7[%dma_wait3A_172] : memref<256xi32, #tpu.memory_space<vmem>> -> memref<56xi32, #tpu.memory_space<vmem>>
    %dma_wait3A_174 = arith.constant 0 : i32
    %dma_wait3A_175 = arith.constant 0 : i32
    %dma_wait3A_176 = tpu.memref_slice %arg3[%dma_wait3A_174, %dma_wait3A_175] : memref<100000x1024xf32, #tpu.memory_space<hbm>> -> memref<100000x1024xf32, #tpu.memory_space<hbm>>
    tpu.wait_indirect_dma semaphore(%arg12 : memref<!tpu.dma_semaphore, #tpu.memory_space<semaphore_mem>>) src(%dma_wait3A_176 : memref<100000x1024xf32, #tpu.memory_space<hbm>>) dst(%dma_wait3A_171 : memref<56x1024xf32, #tpu.memory_space<vmem>>)
    %add3A_177 = arith.constant 184 : i32
    %add3A_178 = arith.addi %mul3A_2, %add3A_177 : i32
    %dma_start3A_179 = arith.constant 0 : i32
    %dma_start3A_180 = arith.constant 0 : i32
    %dma_start3A_181 = tpu.memref_slice %arg9[%dma_start3A_179, %dma_start3A_180] : memref<56x1024xf32, #tpu.memory_space<vmem>> -> memref<56x1024xf32, #tpu.memory_space<vmem>>
    %dma_start3A_182 = arith.constant 0 : i32
    %dma_start3A_183 = tpu.memref_slice %arg6[%add3A_178, %dma_start3A_182] : memref<8192x1024xf32, #tpu.memory_space<hbm>> -> memref<56x1024xf32, #tpu.memory_space<hbm>>
    %dma_start3A_184 = arith.constant 0 : i32
    %dma_start3A_185 = tpu.memref_slice %arg6[%add3A_178, %dma_start3A_184] : memref<8192x1024xf32, #tpu.memory_space<hbm>> -> memref<56x1024xf32, #tpu.memory_space<hbm>>
    %dma_start3A_186 = arith.constant 0 : i32
    %dma_start3A_187 = arith.constant 0 : i32
    %dma_start3A_188 = tpu.memref_slice %arg9[%dma_start3A_186, %dma_start3A_187] : memref<56x1024xf32, #tpu.memory_space<vmem>> -> memref<56x1024xf32, #tpu.memory_space<vmem>>
    tpu.enqueue_dma source(%dma_start3A_188 : memref<56x1024xf32, #tpu.memory_space<vmem>>) target(%dma_start3A_185 : memref<56x1024xf32, #tpu.memory_space<hbm>>) target_semaphore(%arg14 : memref<!tpu.dma_semaphore, #tpu.memory_space<semaphore_mem>>)
    %dma_wait3A_189 = arith.constant 0 : i32
    %dma_wait3A_190 = arith.constant 0 : i32
    %dma_wait3A_191 = tpu.memref_slice %arg8[%dma_wait3A_189, %dma_wait3A_190] : memref<64x1024xf32, #tpu.memory_space<vmem>> -> memref<16x1024xf32, #tpu.memory_space<vmem>>
    %dma_wait3A_192 = arith.constant 240 : i32
    %dma_wait3A_193 = tpu.memref_slice %arg7[%dma_wait3A_192] : memref<256xi32, #tpu.memory_space<vmem>> -> memref<16xi32, #tpu.memory_space<vmem>>
    %dma_wait3A_194 = arith.constant 0 : i32
    %dma_wait3A_195 = arith.constant 0 : i32
    %dma_wait3A_196 = tpu.memref_slice %arg3[%dma_wait3A_194, %dma_wait3A_195] : memref<100000x1024xf32, #tpu.memory_space<hbm>> -> memref<100000x1024xf32, #tpu.memory_space<hbm>>
    tpu.wait_indirect_dma semaphore(%arg11 : memref<!tpu.dma_semaphore, #tpu.memory_space<semaphore_mem>>) src(%dma_wait3A_196 : memref<100000x1024xf32, #tpu.memory_space<hbm>>) dst(%dma_wait3A_191 : memref<16x1024xf32, #tpu.memory_space<vmem>>)
    %add3A_197 = arith.constant 240 : i32
    %add3A_198 = arith.addi %mul3A_2, %add3A_197 : i32
    %dma_start3A_199 = arith.constant 0 : i32
    %dma_start3A_200 = arith.constant 0 : i32
    %dma_start3A_201 = tpu.memref_slice %arg8[%dma_start3A_199, %dma_start3A_200] : memref<64x1024xf32, #tpu.memory_space<vmem>> -> memref<16x1024xf32, #tpu.memory_space<vmem>>
    %dma_start3A_202 = arith.constant 0 : i32
    %dma_start3A_203 = tpu.memref_slice %arg6[%add3A_198, %dma_start3A_202] : memref<8192x1024xf32, #tpu.memory_space<hbm>> -> memref<16x1024xf32, #tpu.memory_space<hbm>>
    %dma_start3A_204 = arith.constant 0 : i32
    %dma_start3A_205 = tpu.memref_slice %arg6[%add3A_198, %dma_start3A_204] : memref<8192x1024xf32, #tpu.memory_space<hbm>> -> memref<16x1024xf32, #tpu.memory_space<hbm>>
    %dma_start3A_206 = arith.constant 0 : i32
    %dma_start3A_207 = arith.constant 0 : i32
    %dma_start3A_208 = tpu.memref_slice %arg8[%dma_start3A_206, %dma_start3A_207] : memref<64x1024xf32, #tpu.memory_space<vmem>> -> memref<16x1024xf32, #tpu.memory_space<vmem>>
    tpu.enqueue_dma source(%dma_start3A_208 : memref<16x1024xf32, #tpu.memory_space<vmem>>) target(%dma_start3A_205 : memref<16x1024xf32, #tpu.memory_space<hbm>>) target_semaphore(%arg13 : memref<!tpu.dma_semaphore, #tpu.memory_space<semaphore_mem>>)
    %add3A_209 = arith.constant 184 : i32
    %add3A_210 = arith.addi %mul3A_2, %add3A_209 : i32
    %dma_wait3A_211 = arith.constant 0 : i32
    %dma_wait3A_212 = arith.constant 0 : i32
    %dma_wait3A_213 = tpu.memref_slice %arg9[%dma_wait3A_211, %dma_wait3A_212] : memref<56x1024xf32, #tpu.memory_space<vmem>> -> memref<56x1024xf32, #tpu.memory_space<vmem>>
    %dma_wait3A_214 = arith.constant 0 : i32
    %dma_wait3A_215 = tpu.memref_slice %arg6[%add3A_210, %dma_wait3A_214] : memref<8192x1024xf32, #tpu.memory_space<hbm>> -> memref<56x1024xf32, #tpu.memory_space<hbm>>
    %dma_wait3A_216 = arith.constant 0 : i32
    %dma_wait3A_217 = tpu.memref_slice %arg6[%add3A_210, %dma_wait3A_216] : memref<8192x1024xf32, #tpu.memory_space<hbm>> -> memref<56x1024xf32, #tpu.memory_space<hbm>>
    %dma_wait3A_218 = arith.constant 0 : i32
    %dma_wait3A_219 = arith.constant 0 : i32
    %dma_wait3A_220 = tpu.memref_slice %arg9[%dma_wait3A_218, %dma_wait3A_219] : memref<56x1024xf32, #tpu.memory_space<vmem>> -> memref<56x1024xf32, #tpu.memory_space<vmem>>
    tpu.wait_dma2 semaphore(%arg14 : memref<!tpu.dma_semaphore, #tpu.memory_space<semaphore_mem>>) src(%dma_wait3A_220 : memref<56x1024xf32, #tpu.memory_space<vmem>>) dst(%dma_wait3A_217 : memref<56x1024xf32, #tpu.memory_space<hbm>>)
    %add3A_221 = arith.constant 240 : i32
    %add3A_222 = arith.addi %mul3A_2, %add3A_221 : i32
    %dma_wait3A_223 = arith.constant 0 : i32
    %dma_wait3A_224 = arith.constant 0 : i32
    %dma_wait3A_225 = tpu.memref_slice %arg8[%dma_wait3A_223, %dma_wait3A_224] : memref<64x1024xf32, #tpu.memory_space<vmem>> -> memref<16x1024xf32, #tpu.memory_space<vmem>>
    %dma_wait3A_226 = arith.constant 0 : i32
    %dma_wait3A_227 = tpu.memref_slice %arg6[%add3A_222, %dma_wait3A_226] : memref<8192x1024xf32, #tpu.memory_space<hbm>> -> memref<16x1024xf32, #tpu.memory_space<hbm>>
    %dma_wait3A_228 = arith.constant 0 : i32
    %dma_wait3A_229 = tpu.memref_slice %arg6[%add3A_222, %dma_wait3A_228] : memref<8192x1024xf32, #tpu.memory_space<hbm>> -> memref<16x1024xf32, #tpu.memory_space<hbm>>
    %dma_wait3A_230 = arith.constant 0 : i32
    %dma_wait3A_231 = arith.constant 0 : i32
    %dma_wait3A_232 = tpu.memref_slice %arg8[%dma_wait3A_230, %dma_wait3A_231] : memref<64x1024xf32, #tpu.memory_space<vmem>> -> memref<16x1024xf32, #tpu.memory_space<vmem>>
    tpu.wait_dma2 semaphore(%arg13 : memref<!tpu.dma_semaphore, #tpu.memory_space<semaphore_mem>>) src(%dma_wait3A_232 : memref<16x1024xf32, #tpu.memory_space<vmem>>) dst(%dma_wait3A_229 : memref<16x1024xf32, #tpu.memory_space<hbm>>)
    %convert_element_type3A = arith.extui %eq3A_13 : i1 to i32
    %cond3A = arith.constant 0 : i32
    %cond3A_233 = arith.cmpi ne, %convert_element_type3A, %cond3A : i32
    scf.if %cond3A_233 {
      %mul3A_234 = arith.constant 32 : i32
      %mul3A_235 = arith.muli %select_n3A_34, %mul3A_234 : i32
      "tpu.region"() ({
        %run_scoped3A = tpu.sem_alloc : memref<!tpu.dma_semaphore, #tpu.memory_space<semaphore_mem>>
        %dma_start3A_248 = tpu.memref_slice %arg5[%mul3A_235] : memref<128xi32, #tpu.memory_space<hbm>> -> memref<24xi32, #tpu.memory_space<hbm>>
        %dma_start3A_249 = tpu.memref_slice %arg5[%mul3A_235] : memref<128xi32, #tpu.memory_space<hbm>> -> memref<24xi32, #tpu.memory_space<hbm>>
        tpu.enqueue_dma source(%dma_start3A_249 : memref<24xi32, #tpu.memory_space<hbm>>) target(%arg10 : memref<24xi32, #tpu.memory_space<vmem>>) target_semaphore(%run_scoped3A : memref<!tpu.dma_semaphore, #tpu.memory_space<semaphore_mem>>)
        %dma_wait3A_250 = tpu.memref_slice %arg5[%mul3A_235] : memref<128xi32, #tpu.memory_space<hbm>> -> memref<24xi32, #tpu.memory_space<hbm>>
        %dma_wait3A_251 = tpu.memref_slice %arg5[%mul3A_235] : memref<128xi32, #tpu.memory_space<hbm>> -> memref<24xi32, #tpu.memory_space<hbm>>
        tpu.wait_dma2 semaphore(%run_scoped3A : memref<!tpu.dma_semaphore, #tpu.memory_space<semaphore_mem>>) src(%dma_wait3A_251 : memref<24xi32, #tpu.memory_space<hbm>>) dst(%arg10 : memref<24xi32, #tpu.memory_space<vmem>>)
        tpu.yield
      }) : () -> ()
      "tpu.region"() ({
        %run_scoped3A = tpu.sem_alloc : memref<!tpu.dma_semaphore, #tpu.memory_space<semaphore_mem>>
        %dma_start3A_248 = arith.constant 0 : i32
        %dma_start3A_249 = arith.constant 0 : i32
        %dma_start3A_250 = tpu.memref_slice %arg8[%dma_start3A_248, %dma_start3A_249] : memref<64x1024xf32, #tpu.memory_space<vmem>> -> memref<24x1024xf32, #tpu.memory_space<vmem>>
        %dma_start3A_251 = arith.constant 0 : i32
        %dma_start3A_252 = arith.constant 0 : i32
        %dma_start3A_253 = tpu.memref_slice %arg8[%dma_start3A_251, %dma_start3A_252] : memref<64x1024xf32, #tpu.memory_space<vmem>> -> memref<24x1024xf32, #tpu.memory_space<vmem>>
        tpu.enqueue_dma source(%arg4 : memref<24x1024xf32, #tpu.memory_space<hbm>>) target(%dma_start3A_253 : memref<24x1024xf32, #tpu.memory_space<vmem>>) target_semaphore(%run_scoped3A : memref<!tpu.dma_semaphore, #tpu.memory_space<semaphore_mem>>)
        %dma_wait3A_254 = arith.constant 0 : i32
        %dma_wait3A_255 = arith.constant 0 : i32
        %dma_wait3A_256 = tpu.memref_slice %arg8[%dma_wait3A_254, %dma_wait3A_255] : memref<64x1024xf32, #tpu.memory_space<vmem>> -> memref<24x1024xf32, #tpu.memory_space<vmem>>
        %dma_wait3A_257 = arith.constant 0 : i32
        %dma_wait3A_258 = arith.constant 0 : i32
        %dma_wait3A_259 = tpu.memref_slice %arg8[%dma_wait3A_257, %dma_wait3A_258] : memref<64x1024xf32, #tpu.memory_space<vmem>> -> memref<24x1024xf32, #tpu.memory_space<vmem>>
        tpu.wait_dma2 semaphore(%run_scoped3A : memref<!tpu.dma_semaphore, #tpu.memory_space<semaphore_mem>>) src(%arg4 : memref<24x1024xf32, #tpu.memory_space<hbm>>) dst(%dma_wait3A_259 : memref<24x1024xf32, #tpu.memory_space<vmem>>)
        tpu.yield
      }) : () -> ()
      %dma_start3A_236 = arith.constant 0 : i32
      %dma_start3A_237 = arith.constant 0 : i32
      %dma_start3A_238 = tpu.memref_slice %arg8[%dma_start3A_236, %dma_start3A_237] : memref<64x1024xf32, #tpu.memory_space<vmem>> -> memref<24x1024xf32, #tpu.memory_space<vmem>>
      %dma_start3A_239 = arith.constant 0 : i32
      %dma_start3A_240 = arith.constant 0 : i32
      %dma_start3A_241 = tpu.memref_slice %arg6[%dma_start3A_239, %dma_start3A_240] : memref<8192x1024xf32, #tpu.memory_space<hbm>> -> memref<8192x1024xf32, #tpu.memory_space<hbm>>
      tpu.enqueue_indirect_dma source(%dma_start3A_238 : memref<24x1024xf32, #tpu.memory_space<vmem>>) target(%dma_start3A_241 : memref<8192x1024xf32, #tpu.memory_space<hbm>>) offsets(%arg10 : memref<24xi32, #tpu.memory_space<vmem>>) semaphore(%arg15 : memref<!tpu.dma_semaphore, #tpu.memory_space<semaphore_mem>>)
      %dma_wait3A_242 = arith.constant 0 : i32
      %dma_wait3A_243 = arith.constant 0 : i32
      %dma_wait3A_244 = tpu.memref_slice %arg8[%dma_wait3A_242, %dma_wait3A_243] : memref<64x1024xf32, #tpu.memory_space<vmem>> -> memref<24x1024xf32, #tpu.memory_space<vmem>>
      %dma_wait3A_245 = arith.constant 0 : i32
      %dma_wait3A_246 = arith.constant 0 : i32
      %dma_wait3A_247 = tpu.memref_slice %arg6[%dma_wait3A_245, %dma_wait3A_246] : memref<8192x1024xf32, #tpu.memory_space<hbm>> -> memref<8192x1024xf32, #tpu.memory_space<hbm>>
      tpu.wait_indirect_dma semaphore(%arg15 : memref<!tpu.dma_semaphore, #tpu.memory_space<semaphore_mem>>) src(%dma_wait3A_244 : memref<24x1024xf32, #tpu.memory_space<vmem>>) dst(%dma_wait3A_247 : memref<8192x1024xf32, #tpu.memory_space<hbm>>)
    } else {
    }
    return
  }
}

</mosaic_0001>

<sc_bundles>
// kernel: _soft_embedding.3.cloned.1.call-start
scs
__scs_entry_jumppad:
0x0: {  	(pc) =	sbr.rel $0x88, $3  }
0x1: {  	(tag) =	ssettag $0x0;
	lr =	simm.s32 $0x1  }
0x2: {  	[smem:$0x3F9E] =	sst lr;
	_ =	strace $0xD0000000  }
0x3: {  	_ = 	snop  }
0x4: {  	_ = 	snop  }
0x5: {  	_ = 	snop  }
0x6: {  	_ = 	snop  }
0x7: {  	_ = 	snop  }
__scs_overlays_trampoline_lowered:
0x8: {  	[smem:$0x3FAD] =	sst s0  }
0x9: {  	[smem:$0x3FAE] =	sst s1  }
0xa: {  	[smem:$0x3FAF] =	sst s2  }
0xb: {  	[smem:$0x3FB0] =	sst s3  }
0xc: {  	[smem:$0x3FB1] =	sst s4  }
0xd: {  	[smem:$0x3FB2] =	sst s5  }
0xe: {  	[smem:$0x3FB3] =	sst s6  }
0xf: {  	[smem:$0x3FB4] =	sst s7  }
0x10: {  	[smem:$0x3FB5] =	sst s8  }
0x11: {  	[smem:$0x3FB6] =	sst s9;
	s0 =	simm.s32 @!p0 $0x0  }
0x12: {  	s1 =	sld [smem:$0x3F9C];
	s0 =	simm.s32 @p0 $0x1  }
0x13: {  	[smem:$0x3FB7] =	sst s0;
	s0 =	simm.s32 @!p1 $0x0  }
0x14: {  	s2 =	sld [smem:$0x3F9B];
	s0 =	simm.s32 @p1 $0x1  }
0x15: {  	[smem:$0x3FB8] =	sst s0;
	s0 =	simm.s32 @!p2 $0x0  }
0x16: {  	s3 =	sld [smem:$0x3FDB];
	s0 =	simm.s32 @p2 $0x1  }
0x17: {  	s4 =	simm.s32 $0x1BF5;
	[smem:$0x3FBA] =	sst s0  }
0x18: {  	s0 =	sld [smem:$0x3F9D];
	_ =	swait.ge [sflag:s4], $0x0  }
0x19: {  	s7 =	sld [smem:$0x3F9E]  }
0x1a: {  	s8 =	sadd.s32 $0xFFFFE003, lr  }
0x1b: {  	s9 =	sadd.s32 $0xFFFFFEF7, lr;
	s5 =	simm.s32 $0xFFFFFFFF;
	p2 =	slt.u32 s8, $0xFFFFF086  }
0x1c: {  	p1 =	slt.u32 s9, $0xF7A;
	s5 =	simm.s32 @!p2 $0x0  }
0x1d: {  	s5 =	simm.s32 @p1 $0x1;
	p0 =	seq.s32 s7, s2  }
0x1e: {  	s7 =	smul.u32 @!p0 $0xF7A, s2;
	p2 =	seq.s32 @!p0 s5, $0x0  }
0x1f: {  	s9 =	smul.u32 $0xF7A, s1;
	s8 =	simm.s32 @!p0 $0x1BF5;
	p2 =	por !p2, p0  }
0x20: {  	[sflag:s8] =	ssyncset.s32 @!p0 $0xFFFFF086;
	s6 =	sadd.s32 @!p0 s3, s7;
	s7 =	simm.s32 @!p0 $0x108  }
0x21: {  	s3 =	sadd.s32 s3, s9;
	s6 =	sadd.s32 @!p0 $0x88, s6;
	s7 =	simm.s32 @p2 $0x1082  }
0x22: {  	[simem:s7], [sflag:s8] =	dma.local @!p0 [hbm:s6], $0xF7A  }
0x23: {  	s9 =	sor.u32 $0xD0000000, s2;
	s6 =	simm.s32 $0x108;
	_ =	swait.ge @!p0 [sflag:s8], $0x0  }
0x24: {  	s3 =	sadd.s32 $0x88, s3;
	s6 =	simm.s32 @!p1 $0x1082;
	[sflag:s4] =	ssyncset.s32 $0xFFFFF086  }
0x25: {  	[simem:s6], [sflag:s4] =	dma.local [hbm:s3], $0xF7A  }
0x26: {  	[smem:$0x3F9E] =	sst s1;
	(tag) =	ssettag s2;
	_ =	strace s9  }
0x27: {  	s1 =	sld [smem:$0x3FAE]  }
0x28: {  	s2 =	sld [smem:$0x3FAF]  }
0x29: {  	s4 =	sld [smem:$0x3FB1]  }
0x2a: {  	p0 =	seq.s32 s5, $0x0;
	s5 =	sld [smem:$0x3FB2]  }
0x2b: {  	s6 =	sld [smem:$0x3FB3]  }
0x2c: {  	s7 =	sld [smem:$0x3FB4]  }
0x2d: {  	s3 =	simm.s32 $0x108;
	s8 =	sld [smem:$0x3FB5]  }
0x2e: {  	s3 =	simm.s32 @!p0 $0x1082;
	s9 =	sld [smem:$0x3FB6]  }
0x2f: {  	lr =	sadd.s32 s0, s3;
	s0 =	sld [smem:$0x3FAD]  }
0x30: {  	s3 =	sld [smem:$0x3FB0]  }
0x31: {  	[smem:$0x3FB9] =	sst s10  }
0x32: {  	s10 =	sld [smem:$0x3FB7];
	_ =	sdelay $0x3  }
0x33: {  	p0 =	seq.s32 s10, $0x1;
	s10 =	sld [smem:$0x3FB9];
	_ =	sdelay $0x3  }
0x34: {  	[smem:$0x3FB9] =	sst s10  }
0x35: {  	s10 =	sld [smem:$0x3FB8];
	_ =	sdelay $0x3  }
0x36: {  	p1 =	seq.s32 s10, $0x1;
	s10 =	sld [smem:$0x3FB9];
	_ =	sdelay $0x3  }
0x37: {  	[smem:$0x3FB9] =	sst s10  }
0x38: {  	s10 =	sld [smem:$0x3FBA]  }
0x39: {  	_ = 	snop;
	(pc) =	sbr.ind lr, $3  }
0x3a: {  	_ = 	snop  }
0x3b: {  	_ = 	snop  }
0x3c: {  	p2 =	seq.s32 s10, $0x1;
	s10 =	sld [smem:$0x3FB9]  }
0x3d: {  	_ =	shalt  }
0x3e: {  	_ =	shalt  }
0x3f: {  	_ =	shalt  }
0x40: {  	_ =	shalt  }
0x41: {  	_ =	shalt  }
0x42: {  	_ =	shalt  }
0x43: {  	_ =	shalt  }
0x44: {  	_ =	shalt  }
0x45: {  	_ =	shalt  }
0x46: {  	_ =	shalt  }
0x47: {  	_ =	shalt  }
0x48: {  	_ =	shalt  }
0x49: {  	_ =	shalt  }
0x4a: {  	_ =	shalt  }
0x4b: {  	_ =	shalt  }
0x4c: {  	_ =	shalt  }
0x4d: {  	_ =	shalt  }
0x4e: {  	_ =	shalt  }
0x4f: {  	_ =	shalt  }
0x50: {  	_ =	shalt  }
0x51: {  	_ =	shalt  }
0x52: {  	_ =	shalt  }
0x53: {  	_ =	shalt  }
0x54: {  	_ =	shalt  }
0x55: {  	_ =	shalt  }
0x56: {  	_ =	shalt  }
0x57: {  	_ =	shalt  }
0x58: {  	_ =	shalt  }
0x59: {  	_ =	shalt  }
0x5a: {  	_ =	shalt  }
0x5b: {  	_ =	shalt  }
0x5c: {  	_ =	shalt  }
0x5d: {  	_ =	shalt  }
0x5e: {  	_ =	shalt  }
0x5f: {  	_ =	shalt  }
0x60: {  	_ =	shalt  }
0x61: {  	_ =	shalt  }
0x62: {  	_ =	shalt  }
0x63: {  	_ =	shalt  }
0x64: {  	_ =	shalt  }
0x65: {  	_ =	shalt  }
0x66: {  	_ =	shalt  }
0x67: {  	_ =	shalt  }
0x68: {  	_ =	shalt  }
0x69: {  	_ =	shalt  }
0x6a: {  	_ =	shalt  }
0x6b: {  	_ =	shalt  }
0x6c: {  	_ =	shalt  }
0x6d: {  	_ =	shalt  }
0x6e: {  	_ =	shalt  }
0x6f: {  	_ =	shalt  }
0x70: {  	_ =	shalt  }
0x71: {  	_ =	shalt  }
0x72: {  	_ =	shalt  }
0x73: {  	_ =	shalt  }
0x74: {  	_ =	shalt  }
0x75: {  	_ =	shalt  }
0x76: {  	_ =	shalt  }
0x77: {  	_ =	shalt  }
0x78: {  	_ =	shalt  }
0x79: {  	_ =	shalt  }
0x7a: {  	_ =	shalt  }
0x7b: {  	_ =	shalt  }
0x7c: {  	_ =	shalt  }
0x7d: {  	_ =	shalt  }
0x7e: {  	_ =	shalt  }
0x7f: {  	_ =	shalt  }
0x80: {  	_ =	shalt  }
0x81: {  	_ =	shalt  }
0x82: {  	_ =	shalt  }
0x83: {  	_ =	shalt  }
0x84: {  	_ =	shalt  }
0x85: {  	_ =	shalt  }
0x86: {  	_ =	shalt  }
0x87: {  	_ =	shalt  }
.Lfunc_end0:
.L_simem_size_0:
called_computation_lowered:
.L_overlay_start_0:
0x88: {  	s2 =	sld [smem:$0x3FD9]  }
0x89: {  	s3 =	sld [smem:$0x3FFE];
	_ =	sdelay $0x1  }
0x8a: {  	s1 =	srdreg.scid  }
0x8b: {  	s0 =	sand.u32 $0x1, s1  }
0x8c: {  	s17 =	sshll.u32 s0, $0xA;
	s2 =	sadd.s32 s3, s2  }
0x8d: {  	s2 =	sadd.s32 s2, s17  }
0x8e: {  	[smem:$0x3FC5] =	sst s2  }
0x8f: {  	_ = 	snop  }
0x90: {  	s2 =	sld [smem:$0x3FC8]  }
0x91: {  	s18 =	sld [smem:$0x3FD0];
	(tm) =	ssettm $0x1  }
0x92: {  	s4 =	sld [smem:$0x3FFB];
	_ =	sdelay $0x3  }
0x93: {  	_ =	strace s4  }
0x94: {  	s4 =	sld [smem:$0x3FFC];
	_ =	sdelay $0x3  }
0x95: {  	_ =	strace s4  }
0x96: {  	s4 =	sld [smem:$0x3FFD];
	_ =	sdelay $0x3  }
0x97: {  	_ =	strace s4  }
0x98: {  	_ =	strace $0x8FFFFFFF  }
0x99: {  	s19 =	sld [smem:$0x3FDB];
	_ =	sdelay $0x1  }
0x9a: {  	s5 =	simm.s32 $_scs_section_size  }
0x9b: {  	s6 =	simm.s32 $_size__tile_overlayer_lowered;
	s7 =	simm.s32 $_tile_overlayer_lowered  }
0x9c: {  	s22 =	simm.s32 $0x1BFF;
	s21 =	sshll.u32 s7, $0x1;
	s4 =	sadd.s32 s5, s19  }
0x9d: {  	s8 =	simm.s32 $0x0;
	s20 =	sshll.u32 s6, $0x1;
	s6 =	sadd.s32 s21, s4  }
0x9e: {  	[timem:s8], [sflag:s22] =	dma.local [hbm:s6], s20  }
0x9f: {  	_ =	swait.ge [sflag:s22], s20  }
0xa0: {  	s5 =	ssub.s32 $0x0, s20;
	[sflag:s22] =	ssyncset.done $0x0  }
0xa1: {  	[sflag:s22] =	ssyncadd.s32 s5;
	_ =	sdelay $0x1  }
0xa2: {  	s23 =	simm.s32 $0x1B8B  }
0xa3: {  	_ =	swait.ge [sflag:s23], $0x1  }
0xa4: {  	[sflag:s23] =	ssyncset.done $0x0  }
0xa5: {  	s25 =	simm.s32 $0x1B8E;
	s24 =	sld [smem:$0x3FFE];
	[sflag:s23] =	ssyncadd.s32 $0xFFFFFFFF  }
0xa6: {  	s26 =	simm.s32 $execute0_lowered;
	[smem:$0x3FD2] =	sst s25  }
0xa7: {  	s6 =	sshll.u32 s26, $0x1;
	_ =	strace $0x80000046;
	[dreg:$0x1] =	wrdreg $0xFFFFFFFF  }
0xa8: {  	s28 =	simm.s32 $_size_execute0_lowered;
	s4 =	sadd.s32 s4, s6;
	[dreg:$0x0] =	wrdreg $0x0  }
0xa9: {  	s6 =	sshll.u32 s28, $0x1;
	[dreg:$0x2] =	wrdreg s4  }
0xaa: {  	[dreg:$0x3] =	wrdreg s6  }
0xab: {  	[dreg:$0x4] =	wrdreg $0xC0  }
0xac: {  	_ =	task [dreg:s8], $0x5FFFF  }
0xad: {  	[dreg:$0x1] =	wrdreg $0xFFFFFFFF  }
0xae: {  	[dreg:$0x0] =	wrdreg $0x60  }
0xaf: {  	[dreg:$0x2] =	wrdreg s24  }
0xb0: {  	[dreg:$0x3] =	wrdreg s2  }
0xb1: {  	[dreg:$0x4] =	wrdreg s18  }
0xb2: {  	[dreg:$0x5] =	wrdreg $0x9  }
0xb3: {  	_ =	task.clear_ibuf [dreg:s8], $0x6FFFF;
	_ =	strace $0x90000046  }
0xb4: {  	s29 =	simm.s32 $0x9;
	_ =	strace $0x80000048  }
0xb5: {  	_ =	swait.ge [sflag:s29], $0x1  }
0xb6: {  	[sflag:s29] =	ssyncadd.s32 $0xFFFFFFFF  }
0xb7: {  	_ =	strace $0x90000048  }
0xb8: {  	_ =	sfence  }
0xb9: {  	s30 =	sld [smem:$0x0];
	_ =	sdelay $0x2  }
0xba: {  	s31 =	sshll.u32 s1, $0xD;
	s1 =	sshrl.u32 s1, $0x2  }
0xbb: {  	s3 =	sand.u32 $0x4000, s31;
	s1 =	sadd.s32 s1, s30  }
0xbc: {  	s0 =	sor.u32 s3, s0;
	s1 =	sshll.u32 s1, $0x11  }
0xbd: {  	s0 =	sor.u32 s1, s0  }
0xbe: {  	s0 =	sadd.s32 $0x8F2B, s0  }
0xbf: {  	[sflag:s0] =	ssyncadd.remote.s32 $0x1  }
0xc0: {  	_ =	sfence.sel $0xFFFF  }
0xc1: {  	[dreg:$0x0] =	wrdreg $0xFFFFFFFF;
	(pc) =	sbr.abs _section_cstart, $3  }
0xc2: {  	[dreg:$0x1] =	wrdreg $0xFFFFFFFF  }
0xc3: {  	_ =	task.clear_ibuf [dreg:s8], $0x2FFFF;
	_ =	strace $0x9FFFFFFF  }
0xc4: {  	(tm) =	ssettm $0x7FFFFFFF  }
0xc5: {  	_ =	shalt  }
tec
execute0_lowered:
.L_overlay_start_1:
0x0: {  	(tag) =	ssettag $0x1  }
0x1: {  	s0 =	rddreg [dreg:$0x0]  }
0x2: {  	s2 =	rddreg [dreg:$0x1]  }
0x3: {  	s3 =	rddreg [dreg:$0x2];
	s1 =	srdreg.scid  }
0x4: {  	s8 =	stileid.u32;
	s4 =	simm.s32 $0x0;
	s31 =	simm.s32 $0x1  }
0x5: {  	s29 =	simm.s32 $0x5900;
	s30 =	simm.s32 $0x6100;
	s13 =	simm.s32 $0x7900  }
0x6: {  	s15 =	simm.s32 $0x8100;
	s11 =	simm.s32 $0x9900;
	s14 =	simm.s32 $0xA100  }
0x7: {  	s16 =	simm.s32 $0xA900;
	s17 =	simm.s32 $0xB100;
	s18 =	simm.s32 $0xB900  }
0x8: {  	s1 =	sand.u32 $0x1, s1;
	s5 =	sshll.u32 s8, $0x1;
	[smem:$0x7FF] =	sst s4  }
0x9: {  	s7 =	sadd.s32 $0xA00, s0;
	s8 =	sand.u32 $0xC, s8;
	s25 =	sadd.s32 $0x100, s3  }
0xa: {  	s26 =	sadd.s32 $0x200, s3;
	_ =	strace $0x80000047;
	[dreg:$0x4] =	wrdreg s7  }
0xb: {  	s28 =	sadd.s32 $0x300, s3;
	s5 =	sor.u32 s1, s5;
	[dreg:$0xc] =	wrdreg s25  }
0xc: {  	s1 =	ssub.s32 $0x2, s1;
	s7 =	sadd.s32 $0x200, s2;
	[dreg:$0xd] =	wrdreg s26  }
0xd: {  	[dreg:$0xe] =	wrdreg s28;
	s6 =	sshll.u32 s5, $0x5;
	s19 =	sshll.u32 s5, $0xF  }
0xe: {  	s21 =	sshrl.u32 s1, $0x1;
	s5 =	sand.u32 $0x7, s5;
	s6 =	sadd.s32 s6, s0  }
0xf: {  	s0 =	sadd.s32 s8, s0;
	s20 =	sadd.s32 s3, s19;
	s1 =	ssub.s32 s1, s21  }
0x10: {  	p0 =	sne.s32 s5, $0x0;
	s6 =	sadd.s32 $0x600, s6;
	[dreg:$0xb] =	wrdreg s20  }
0x11: {  	s19 =	simm.s32 $0xC100;
	s22 =	sadd.s32 $0x2000, s20;
	[dreg:$0x5] =	wrdreg s6  }
0x12: {  	s21 =	simm.s32 $0xD100;
	s23 =	sadd.s32 $0x3C00, s20;
	[dreg:$0x6] =	wrdreg s22  }
0x13: {  	s24 =	sadd.s32 $0x5C00, s20;
	s8 =	sadd.s32 $0x7800, s20;
	[dreg:$0x7] =	wrdreg s23  }
0x14: {  	s0 =	sadd.s32 $0x1600, s0;
	s12 =	smax.u32 s1, $0x1;
	[dreg:$0x8] =	wrdreg s24  }
0x15: {  	v2 =	vlaneseq.u32;
	s1 =	simm.s32 $0x100;
	s20 =	simm.s32 $0xC900;
	[dreg:$0x9] =	wrdreg s8  }
0x16: {  	vm0 =	vmmov $0xffff;
	v1 =	vshrl.u32 v2, $0x3;
	v0 =	vand.u32 $0x7, v2;
	s6 =	sadd.s32 $0x100, s2;
	s8 =	sadd.s32 $0x300, s2;
	[dreg:$0xa] =	wrdreg s0  }
0x17: {  	v2 =	vor.u32 $0x8, v2;
	v1 =	vmul.u32 $0x8, v1;
	vm1 =	vmmov @!p0 $0xffff;
	s0 =	simm.s32 $0x3;
	s24 =	simm.s32 $0xD900;
	s22 =	simm.s32 $0xE100  }
.LBB2_1:
0x18: {  	s23 =	rddreg [dreg:$0x5];
	s3 =	simm.s32 $0x6  }
0x19: {  	[tilespmem:s4], [sflag:$0x6] =	stream.linear.gather [hbm4b:s23+s4], $0x100, $0x38;
	[tilespmem:$0x1E180] =	vst v63  }
0x1a: {  	_ =	swait.ge [sflag:s3], $0x100  }
0x1b: {  	[sflag:s3] =	ssyncset.done $0x0  }
0x1c: {  	[sflag:s3] =	ssyncadd.s32 $0xFFFFFF00  }
0x1d: {  	v3 =	vld [tilespmem:$0x0];
	_ =	sdelay $0x4  }
0x1e: {  	v4 =	vshll.u32 v3, $0x3  }
0x1f: {  	v3 =	vand.u32 $0x7, v3;
	v4 =	vand.u32 $0xFFFFFFC0, v4  }
0x20: {  	v3 =	vor.u32 v3, v4  }
0x21: {  	v4 =	vperm.xlane v3, v0;
	_ =	sdelay $0x1  }
0x22: {  	v4 =	vadd.s32 v1, v4;
	_ =	sdelay $0x4  }
0x23: {  	[tilespmem:s1], [sflag:$0x1] =	stream.indirect_vreg.gather [hbm4b:s2+s4], $0x80, v4, vm0, $0xb8;
	[tilespmem:$0x1E180] =	vst v63  }
0x24: {  	s10 =	simm.s32 $0x900;
	v3 =	vperm.xlane v3, v2  }
0x25: {  	[tilespmem:s10], [sflag:$0x1] =	stream.indirect_vreg.gather [hbm4b:s6+s4], $0x80, v4, vm0, $0xb8;
	[tilespmem:$0x1E180] =	vst v63  }
0x26: {  	s23 =	simm.s32 $0x1100;
	v3 =	vadd.s32 v1, v3  }
0x27: {  	[tilespmem:s23], [sflag:$0x1] =	stream.indirect_vreg.gather [hbm4b:s7+s4], $0x80, v4, vm0, $0xb8;
	[tilespmem:$0x1E180] =	vst v63  }
0x28: {  	s25 =	simm.s32 $0x1900  }
0x29: {  	[tilespmem:s25], [sflag:$0x1] =	stream.indirect_vreg.gather [hbm4b:s8+s4], $0x80, v4, vm0, $0xb8;
	[tilespmem:$0x1E180] =	vst v63  }
0x2a: {  	s26 =	simm.s32 $0x2100  }
0x2b: {  	[tilespmem:s26], [sflag:$0x1] =	stream.indirect_vreg.gather [hbm4b:s2+s4], $0x80, v3, vm0, $0xb8;
	[tilespmem:$0x1E180] =	vst v63  }
0x2c: {  	s28 =	simm.s32 $0x2900  }
0x2d: {  	[tilespmem:s28], [sflag:$0x1] =	stream.indirect_vreg.gather [hbm4b:s6+s4], $0x80, v3, vm0, $0xb8;
	[tilespmem:$0x1E180] =	vst v63  }
0x2e: {  	s5 =	simm.s32 $0x3100  }
0x2f: {  	[tilespmem:s5], [sflag:$0x1] =	stream.indirect_vreg.gather [hbm4b:s7+s4], $0x80, v3, vm0, $0xb8;
	[tilespmem:$0x1E180] =	vst v63  }
0x30: {  	s9 =	simm.s32 $0x3900  }
0x31: {  	[tilespmem:s9], [sflag:$0x1] =	stream.indirect_vreg.gather [hbm4b:s8+s4], $0x80, v3, vm0, $0xb8;
	[tilespmem:$0x1E180] =	vst v63  }
0x32: {  	v3 =	vld [tilespmem:$0x10];
	_ =	sdelay $0x4  }
0x33: {  	v48 =	vshll.u32 v3, $0x3  }
0x34: {  	v3 =	vand.u32 $0x7, v3;
	v4 =	vand.u32 $0xFFFFFFC0, v48  }
0x35: {  	v3 =	vor.u32 v3, v4  }
0x36: {  	v4 =	vperm.xlane v3, v0;
	_ =	sdelay $0x1  }
0x37: {  	v4 =	vadd.s32 v1, v4;
	_ =	sdelay $0x3  }
0x38: {  	s25 =	simm.s32 $0x4100  }
0x39: {  	[tilespmem:s25], [sflag:$0x1] =	stream.indirect_vreg.gather [hbm4b:s2+s4], $0x80, v4, vm0, $0xb8;
	[tilespmem:$0x1E180] =	vst v63  }
0x3a: {  	s26 =	simm.s32 $0x4900;
	v3 =	vperm.xlane v3, v2  }
0x3b: {  	[tilespmem:s26], [sflag:$0x1] =	stream.indirect_vreg.gather [hbm4b:s6+s4], $0x80, v4, vm0, $0xb8;
	[tilespmem:$0x1E180] =	vst v63  }
0x3c: {  	s28 =	simm.s32 $0x5100;
	v3 =	vadd.s32 v1, v3  }
0x3d: {  	[tilespmem:s28], [sflag:$0x1] =	stream.indirect_vreg.gather [hbm4b:s7+s4], $0x80, v4, vm0, $0xb8;
	[tilespmem:$0x1E180] =	vst v63  }
0x3e: {  	_ = 	snop  }
0x3f: {  	[tilespmem:s29], [sflag:$0x1] =	stream.indirect_vreg.gather [hbm4b:s8+s4], $0x80, v4, vm0, $0xb8;
	[tilespmem:$0x1E180] =	vst v63  }
0x40: {  	_ = 	snop  }
0x41: {  	[tilespmem:s30], [sflag:$0x1] =	stream.indirect_vreg.gather [hbm4b:s2+s4], $0x80, v3, vm0, $0xb8;
	[tilespmem:$0x1E180] =	vst v63  }
0x42: {  	s5 =	simm.s32 $0x6900  }
0x43: {  	[tilespmem:s5], [sflag:$0x1] =	stream.indirect_vreg.gather [hbm4b:s6+s4], $0x80, v3, vm0, $0xb8;
	[tilespmem:$0x1E180] =	vst v63  }
0x44: {  	s10 =	simm.s32 $0x7100  }
0x45: {  	[tilespmem:s10], [sflag:$0x1] =	stream.indirect_vreg.gather [hbm4b:s7+s4], $0x80, v3, vm0, $0xb8;
	[tilespmem:$0x1E180] =	vst v63  }
0x46: {  	_ = 	snop  }
0x47: {  	[tilespmem:s13], [sflag:$0x1] =	stream.indirect_vreg.gather [hbm4b:s8+s4], $0x80, v3, vm0, $0xb8;
	[tilespmem:$0x1E180] =	vst v63  }
0x48: {  	v3 =	vld [tilespmem:$0x20];
	_ =	sdelay $0x4  }
0x49: {  	v49 =	vshll.u32 v3, $0x3  }
0x4a: {  	v3 =	vand.u32 $0x7, v3;
	v4 =	vand.u32 $0xFFFFFFC0, v49  }
0x4b: {  	v3 =	vor.u32 v3, v4  }
0x4c: {  	v4 =	vperm.xlane v3, v0;
	_ =	sdelay $0x1  }
0x4d: {  	v4 =	vadd.s32 v1, v4;
	_ =	sdelay $0x4  }
0x4e: {  	[tilespmem:s15], [sflag:$0x1] =	stream.indirect_vreg.gather [hbm4b:s2+s4], $0x80, v4, vm0, $0xb8;
	[tilespmem:$0x1E180] =	vst v63  }
0x4f: {  	s9 =	simm.s32 $0x8900;
	v3 =	vperm.xlane v3, v2  }
0x50: {  	[tilespmem:s9], [sflag:$0x1] =	stream.indirect_vreg.gather [hbm4b:s6+s4], $0x80, v4, vm0, $0xb8;
	[tilespmem:$0x1E180] =	vst v63  }
0x51: {  	s10 =	simm.s32 $0x9100;
	v3 =	vadd.s32 v1, v3  }
0x52: {  	[tilespmem:s10], [sflag:$0x1] =	stream.indirect_vreg.gather [hbm4b:s7+s4], $0x80, v4, vm0, $0xb8;
	[tilespmem:$0x1E180] =	vst v63  }
0x53: {  	_ = 	snop  }
0x54: {  	[tilespmem:s11], [sflag:$0x1] =	stream.indirect_vreg.gather [hbm4b:s8+s4], $0x80, v4, vm0, $0xb8;
	[tilespmem:$0x1E180] =	vst v63  }
0x55: {  	_ = 	snop  }
0x56: {  	[tilespmem:s14], [sflag:$0x1] =	stream.indirect_vreg.gather [hbm4b:s2+s4], $0x80, v3, vm0, $0xb8;
	[tilespmem:$0x1E180] =	vst v63  }
0x57: {  	_ = 	snop  }
0x58: {  	[tilespmem:s16], [sflag:$0x1] =	stream.indirect_vreg.gather [hbm4b:s6+s4], $0x80, v3, vm0, $0xb8;
	[tilespmem:$0x1E180] =	vst v63  }
0x59: {  	_ = 	snop  }
0x5a: {  	[tilespmem:s17], [sflag:$0x1] =	stream.indirect_vreg.gather [hbm4b:s7+s4], $0x80, v3, vm0, $0xb8;
	[tilespmem:$0x1E180] =	vst v63  }
0x5b: {  	_ = 	snop  }
0x5c: {  	[tilespmem:s18], [sflag:$0x1] =	stream.indirect_vreg.gather [hbm4b:s8+s4], $0x80, v3, vm0, $0xb8;
	[tilespmem:$0x1E180] =	vst v63  }
0x5d: {  	v3 =	vld [tilespmem:$0x30];
	_ =	sdelay $0x4  }
0x5e: {  	v50 =	vshll.u32 v3, $0x3  }
0x5f: {  	v3 =	vand.u32 $0x7, v3;
	v4 =	vand.u32 $0xFFFFFFC0, v50  }
0x60: {  	v3 =	vor.u32 v3, v4  }
0x61: {  	v4 =	vperm.xlane v3, v0;
	_ =	sdelay $0x1  }
0x62: {  	v4 =	vadd.s32 v1, v4;
	_ =	sdelay $0x4  }
0x63: {  	[tilespmem:s19], [sflag:$0x1] =	stream.indirect_vreg.gather [hbm4b:s2+s4], $0x80, v4, vm0, $0xb8;
	[tilespmem:$0x1E180] =	vst v63  }
0x64: {  	v3 =	vperm.xlane v3, v2  }
0x65: {  	[tilespmem:s20], [sflag:$0x1] =	stream.indirect_vreg.gather [hbm4b:s6+s4], $0x80, v4, vm0, $0xb8;
	[tilespmem:$0x1E180] =	vst v63  }
0x66: {  	v3 =	vadd.s32 v1, v3  }
0x67: {  	[tilespmem:s21], [sflag:$0x1] =	stream.indirect_vreg.gather [hbm4b:s7+s4], $0x80, v4, vm0, $0xb8;
	[tilespmem:$0x1E180] =	vst v63  }
0x68: {  	_ = 	snop  }
0x69: {  	[tilespmem:s24], [sflag:$0x1] =	stream.indirect_vreg.gather [hbm4b:s8+s4], $0x80, v4, vm0, $0xb8;
	[tilespmem:$0x1E180] =	vst v63  }
0x6a: {  	_ = 	snop  }
0x6b: {  	[tilespmem:s22], [sflag:$0x1] =	stream.indirect_vreg.gather [hbm4b:s2+s4], $0x80, v3, vm0, $0xb8;
	[tilespmem:$0x1E180] =	vst v63  }
0x6c: {  	s23 =	simm.s32 $0xE900  }
0x6d: {  	[tilespmem:s23], [sflag:$0x1] =	stream.indirect_vreg.gather [hbm4b:s6+s4], $0x80, v3, vm0, $0xb8;
	[tilespmem:$0x1E180] =	vst v63  }
0x6e: {  	s23 =	simm.s32 $0xF100  }
0x6f: {  	[tilespmem:s23], [sflag:$0x1] =	stream.indirect_vreg.gather [hbm4b:s7+s4], $0x80, v3, vm0, $0xb8;
	[tilespmem:$0x1E180] =	vst v63  }
0x70: {  	s23 =	simm.s32 $0xF900  }
0x71: {  	[tilespmem:s23], [sflag:$0x1] =	stream.indirect_vreg.gather [hbm4b:s8+s4], $0x80, v3, vm0, $0xb8;
	[tilespmem:$0x1E180] =	vst v63  }
0x72: {  	v3 =	vld [tilespmem:$0x40];
	_ =	sdelay $0x4  }
0x73: {  	v51 =	vshll.u32 v3, $0x3  }
0x74: {  	v3 =	vand.u32 $0x7, v3;
	v4 =	vand.u32 $0xFFFFFFC0, v51  }
0x75: {  	v3 =	vor.u32 v3, v4  }
0x76: {  	v4 =	vperm.xlane v3, v0;
	_ =	sdelay $0x1  }
0x77: {  	v4 =	vadd.s32 v1, v4;
	_ =	sdelay $0x3  }
0x78: {  	s3 =	simm.s32 $0x10100  }
0x79: {  	[tilespmem:s3], [sflag:$0x2] =	stream.indirect_vreg.gather [hbm4b:s2+s4], $0x80, v4, vm0, $0xb8;
	[tilespmem:$0x1E180] =	vst v63  }
0x7a: {  	s23 =	simm.s32 $0x10900;
	v3 =	vperm.xlane v3, v2  }
0x7b: {  	[tilespmem:s23], [sflag:$0x2] =	stream.indirect_vreg.gather [hbm4b:s6+s4], $0x80, v4, vm0, $0xb8;
	[tilespmem:$0x1E180] =	vst v63  }
0x7c: {  	v3 =	vadd.s32 v1, v3;
	s23 =	simm.s32 $0x11100  }
0x7d: {  	[tilespmem:s23], [sflag:$0x2] =	stream.indirect_vreg.gather [hbm4b:s7+s4], $0x80, v4, vm0, $0xb8;
	[tilespmem:$0x1E180] =	vst v63  }
0x7e: {  	s23 =	simm.s32 $0x11900  }
0x7f: {  	[tilespmem:s23], [sflag:$0x2] =	stream.indirect_vreg.gather [hbm4b:s8+s4], $0x80, v4, vm0, $0xb8;
	[tilespmem:$0x1E180] =	vst v63  }
0x80: {  	s23 =	simm.s32 $0x12100  }
0x81: {  	[tilespmem:s23], [sflag:$0x2] =	stream.indirect_vreg.gather [hbm4b:s2+s4], $0x80, v3, vm0, $0xb8;
	[tilespmem:$0x1E180] =	vst v63  }
0x82: {  	s23 =	simm.s32 $0x12900  }
0x83: {  	[tilespmem:s23], [sflag:$0x2] =	stream.indirect_vreg.gather [hbm4b:s6+s4], $0x80, v3, vm0, $0xb8;
	[tilespmem:$0x1E180] =	vst v63  }
0x84: {  	s23 =	simm.s32 $0x13100  }
0x85: {  	[tilespmem:s23], [sflag:$0x2] =	stream.indirect_vreg.gather [hbm4b:s7+s4], $0x80, v3, vm0, $0xb8;
	[tilespmem:$0x1E180] =	vst v63  }
0x86: {  	s23 =	simm.s32 $0x13900  }
0x87: {  	[tilespmem:s23], [sflag:$0x2] =	stream.indirect_vreg.gather [hbm4b:s8+s4], $0x80, v3, vm0, $0xb8;
	[tilespmem:$0x1E180] =	vst v63  }
0x88: {  	v3 =	vld [tilespmem:$0x50];
	_ =	sdelay $0x4  }
0x89: {  	v52 =	vshll.u32 v3, $0x3  }
0x8a: {  	v3 =	vand.u32 $0x7, v3;
	v4 =	vand.u32 $0xFFFFFFC0, v52  }
0x8b: {  	v3 =	vor.u32 v3, v4  }
0x8c: {  	v4 =	vperm.xlane v3, v0;
	_ =	sdelay $0x1  }
0x8d: {  	v4 =	vadd.s32 v1, v4;
	_ =	sdelay $0x3  }
0x8e: {  	s23 =	simm.s32 $0x14100  }
0x8f: {  	[tilespmem:s23], [sflag:$0x2] =	stream.indirect_vreg.gather [hbm4b:s2+s4], $0x80, v4, vm0, $0xb8;
	[tilespmem:$0x1E180] =	vst v63  }
0x90: {  	v3 =	vperm.xlane v3, v2;
	s23 =	simm.s32 $0x14900  }
0x91: {  	[tilespmem:s23], [sflag:$0x2] =	stream.indirect_vreg.gather [hbm4b:s6+s4], $0x80, v4, vm0, $0xb8;
	[tilespmem:$0x1E180] =	vst v63  }
0x92: {  	v3 =	vadd.s32 v1, v3;
	s23 =	simm.s32 $0x15100  }
0x93: {  	[tilespmem:s23], [sflag:$0x2] =	stream.indirect_vreg.gather [hbm4b:s7+s4], $0x80, v4, vm0, $0xb8;
	[tilespmem:$0x1E180] =	vst v63  }
0x94: {  	s23 =	simm.s32 $0x15900  }
0x95: {  	[tilespmem:s23], [sflag:$0x2] =	stream.indirect_vreg.gather [hbm4b:s8+s4], $0x80, v4, vm0, $0xb8;
	[tilespmem:$0x1E180] =	vst v63  }
0x96: {  	s23 =	simm.s32 $0x16100  }
0x97: {  	[tilespmem:s23], [sflag:$0x2] =	stream.indirect_vreg.gather [hbm4b:s2+s4], $0x80, v3, vm0, $0xb8;
	[tilespmem:$0x1E180] =	vst v63  }
0x98: {  	s23 =	simm.s32 $0x16900  }
0x99: {  	[tilespmem:s23], [sflag:$0x2] =	stream.indirect_vreg.gather [hbm4b:s6+s4], $0x80, v3, vm0, $0xb8;
	[tilespmem:$0x1E180] =	vst v63  }
0x9a: {  	s23 =	simm.s32 $0x17100  }
0x9b: {  	[tilespmem:s23], [sflag:$0x2] =	stream.indirect_vreg.gather [hbm4b:s7+s4], $0x80, v3, vm0, $0xb8;
	[tilespmem:$0x1E180] =	vst v63  }
0x9c: {  	s23 =	simm.s32 $0x17900  }
0x9d: {  	[tilespmem:s23], [sflag:$0x2] =	stream.indirect_vreg.gather [hbm4b:s8+s4], $0x80, v3, vm0, $0xb8;
	[tilespmem:$0x1E180] =	vst v63  }
0x9e: {  	v3 =	vld [tilespmem:$0x60];
	_ =	sdelay $0x4  }
0x9f: {  	v53 =	vshll.u32 v3, $0x3  }
0xa0: {  	v3 =	vand.u32 $0x7, v3;
	v4 =	vand.u32 $0xFFFFFFC0, v53  }
0xa1: {  	v3 =	vor.u32 v3, v4  }
0xa2: {  	v4 =	vperm.xlane v3, v0;
	_ =	sdelay $0x1  }
0xa3: {  	v4 =	vadd.s32 v1, v4;
	_ =	sdelay $0x3  }
0xa4: {  	s23 =	simm.s32 $0x18100  }
0xa5: {  	[tilespmem:s23], [sflag:$0x2] =	stream.indirect_vreg.gather [hbm4b:s2+s4], $0x80, v4, vm0, $0xb8;
	[tilespmem:$0x1E180] =	vst v63  }
0xa6: {  	v3 =	vperm.xlane v3, v2;
	s23 =	simm.s32 $0x18900  }
0xa7: {  	[tilespmem:s23], [sflag:$0x2] =	stream.indirect_vreg.gather [hbm4b:s6+s4], $0x80, v4, vm0, $0xb8;
	[tilespmem:$0x1E180] =	vst v63  }
0xa8: {  	v3 =	vadd.s32 v1, v3;
	s23 =	simm.s32 $0x19100  }
0xa9: {  	[tilespmem:s23], [sflag:$0x2] =	stream.indirect_vreg.gather [hbm4b:s7+s4], $0x80, v4, vm0, $0xb8;
	[tilespmem:$0x1E180] =	vst v63  }
0xaa: {  	s23 =	simm.s32 $0x19900  }
0xab: {  	[tilespmem:s23], [sflag:$0x2] =	stream.indirect_vreg.gather [hbm4b:s8+s4], $0x80, v4, vm0, $0xb8;
	[tilespmem:$0x1E180] =	vst v63  }
0xac: {  	s23 =	simm.s32 $0x1A100  }
0xad: {  	[tilespmem:s23], [sflag:$0x2] =	stream.indirect_vreg.gather [hbm4b:s2+s4], $0x80, v3, vm0, $0xb8;
	[tilespmem:$0x1E180] =	vst v63  }
0xae: {  	s23 =	simm.s32 $0x1A900  }
0xaf: {  	[tilespmem:s23], [sflag:$0x2] =	stream.indirect_vreg.gather [hbm4b:s6+s4], $0x80, v3, vm0, $0xb8;
	[tilespmem:$0x1E180] =	vst v63  }
0xb0: {  	s23 =	simm.s32 $0x1B100  }
0xb1: {  	[tilespmem:s23], [sflag:$0x2] =	stream.indirect_vreg.gather [hbm4b:s7+s4], $0x80, v3, vm0, $0xb8;
	[tilespmem:$0x1E180] =	vst v63  }
0xb2: {  	s23 =	simm.s32 $0x1B900  }
0xb3: {  	[tilespmem:s23], [sflag:$0x2] =	stream.indirect_vreg.gather [hbm4b:s8+s4], $0x80, v3, vm0, $0xb8;
	[tilespmem:$0x1E180] =	vst v63  }
0xb4: {  	v3 =	vld.msk [tilespmem:$0x70], $0xff;
	_ =	sdelay $0x4  }
0xb5: {  	v54 =	vshll.u32 v3, $0x3  }
0xb6: {  	v3 =	vand.u32 $0x7, v3;
	v4 =	vand.u32 $0xFFFFFFC0, v54  }
0xb7: {  	v3 =	vor.u32 v3, v4  }
0xb8: {  	v3 =	vperm.xlane v3, v0;
	_ =	sdelay $0x1  }
0xb9: {  	v3 =	vadd.s32 v1, v3;
	_ =	sdelay $0x3  }
0xba: {  	s23 =	simm.s32 $0x1C100  }
0xbb: {  	[tilespmem:s23], [sflag:$0x2] =	stream.indirect_vreg.gather [hbm4b:s2+s4], $0x80, v3, vm0, $0xb8;
	[tilespmem:$0x1E180] =	vst v63  }
0xbc: {  	s23 =	simm.s32 $0x1C900  }
0xbd: {  	[tilespmem:s23], [sflag:$0x2] =	stream.indirect_vreg.gather [hbm4b:s6+s4], $0x80, v3, vm0, $0xb8;
	[tilespmem:$0x1E180] =	vst v63  }
0xbe: {  	s23 =	simm.s32 $0x1D100  }
0xbf: {  	[tilespmem:s23], [sflag:$0x2] =	stream.indirect_vreg.gather [hbm4b:s7+s4], $0x80, v3, vm0, $0xb8;
	[tilespmem:$0x1E180] =	vst v63  }
0xc0: {  	s23 =	simm.s32 $0x1D900  }
0xc1: {  	[tilespmem:s23], [sflag:$0x2] =	stream.indirect_vreg.gather [hbm4b:s8+s4], $0x80, v3, vm0, $0xb8;
	[tilespmem:$0x1E180] =	vst v63  }
0xc2: {  	_ =	swait.ge [sflag:s31], $0x10000  }
0xc3: {  	[sflag:s31] =	ssyncset.done $0x0  }
0xc4: {  	s23 =	rddreg [dreg:$0xb];
	[sflag:s31] =	ssyncadd.s32 $0xFFFF0000  }
0xc5: {  	[hbm4b:s23+s4] =	stream.linear.scatter [tilespmem:s1], [sflag:$0x3], $0x10000, $0x38;
	[tilespmem:$0x1E180] =	vst v63  }
0xc6: {  	_ =	swait.ge [sflag:s0], $0x10000  }
0xc7: {  	[sflag:s0] =	ssyncset.done $0x0  }
0xc8: {  	[sflag:s0] =	ssyncadd.s32 $0xFFFF0000  }
0xc9: {  	v3 =	vld [tilespmem:$0x78];
	_ =	sdelay $0x4  }
0xca: {  	v55 =	vshll.u32 v3, $0x3  }
0xcb: {  	v3 =	vand.u32 $0x7, v3;
	v4 =	vand.u32 $0xFFFFFFC0, v55  }
0xcc: {  	v3 =	vor.u32 v3, v4  }
0xcd: {  	v4 =	vperm.xlane v3, v0;
	_ =	sdelay $0x1  }
0xce: {  	v4 =	vadd.s32 v1, v4;
	_ =	sdelay $0x4  }
0xcf: {  	[tilespmem:s1], [sflag:$0x1] =	stream.indirect_vreg.gather [hbm4b:s2+s4], $0x80, v4, vm0, $0xb8;
	[tilespmem:$0x1E180] =	vst v63  }
0xd0: {  	s23 =	simm.s32 $0x900;
	v3 =	vperm.xlane v3, v2  }
0xd1: {  	[tilespmem:s23], [sflag:$0x1] =	stream.indirect_vreg.gather [hbm4b:s6+s4], $0x80, v4, vm0, $0xb8;
	[tilespmem:$0x1E180] =	vst v63  }
0xd2: {  	v3 =	vadd.s32 v1, v3;
	s23 =	simm.s32 $0x1100  }
0xd3: {  	[tilespmem:s23], [sflag:$0x1] =	stream.indirect_vreg.gather [hbm4b:s7+s4], $0x80, v4, vm0, $0xb8;
	[tilespmem:$0x1E180] =	vst v63  }
0xd4: {  	s23 =	simm.s32 $0x1900  }
0xd5: {  	[tilespmem:s23], [sflag:$0x1] =	stream.indirect_vreg.gather [hbm4b:s8+s4], $0x80, v4, vm0, $0xb8;
	[tilespmem:$0x1E180] =	vst v63  }
0xd6: {  	s23 =	simm.s32 $0x2100  }
0xd7: {  	[tilespmem:s23], [sflag:$0x1] =	stream.indirect_vreg.gather [hbm4b:s2+s4], $0x80, v3, vm0, $0xb8;
	[tilespmem:$0x1E180] =	vst v63  }
0xd8: {  	s23 =	simm.s32 $0x2900  }
0xd9: {  	[tilespmem:s23], [sflag:$0x1] =	stream.indirect_vreg.gather [hbm4b:s6+s4], $0x80, v3, vm0, $0xb8;
	[tilespmem:$0x1E180] =	vst v63  }
0xda: {  	s23 =	simm.s32 $0x3100  }
0xdb: {  	[tilespmem:s23], [sflag:$0x1] =	stream.indirect_vreg.gather [hbm4b:s7+s4], $0x80, v3, vm0, $0xb8;
	[tilespmem:$0x1E180] =	vst v63  }
0xdc: {  	s23 =	simm.s32 $0x3900  }
0xdd: {  	[tilespmem:s23], [sflag:$0x1] =	stream.indirect_vreg.gather [hbm4b:s8+s4], $0x80, v3, vm0, $0xb8;
	[tilespmem:$0x1E180] =	vst v63  }
0xde: {  	v3 =	vld [tilespmem:$0x88];
	_ =	sdelay $0x4  }
0xdf: {  	v56 =	vshll.u32 v3, $0x3  }
0xe0: {  	v3 =	vand.u32 $0x7, v3;
	v4 =	vand.u32 $0xFFFFFFC0, v56  }
0xe1: {  	v3 =	vor.u32 v3, v4  }
0xe2: {  	v4 =	vperm.xlane v3, v0;
	_ =	sdelay $0x1  }
0xe3: {  	v4 =	vadd.s32 v1, v4;
	_ =	sdelay $0x4  }
0xe4: {  	[tilespmem:s25], [sflag:$0x1] =	stream.indirect_vreg.gather [hbm4b:s2+s4], $0x80, v4, vm0, $0xb8;
	[tilespmem:$0x1E180] =	vst v63  }
0xe5: {  	v3 =	vperm.xlane v3, v2  }
0xe6: {  	[tilespmem:s26], [sflag:$0x1] =	stream.indirect_vreg.gather [hbm4b:s6+s4], $0x80, v4, vm0, $0xb8;
	[tilespmem:$0x1E180] =	vst v63  }
0xe7: {  	v3 =	vadd.s32 v1, v3  }
0xe8: {  	[tilespmem:s28], [sflag:$0x1] =	stream.indirect_vreg.gather [hbm4b:s7+s4], $0x80, v4, vm0, $0xb8;
	[tilespmem:$0x1E180] =	vst v63  }
0xe9: {  	_ = 	snop  }
0xea: {  	[tilespmem:s29], [sflag:$0x1] =	stream.indirect_vreg.gather [hbm4b:s8+s4], $0x80, v4, vm0, $0xb8;
	[tilespmem:$0x1E180] =	vst v63  }
0xeb: {  	_ = 	snop  }
0xec: {  	[tilespmem:s30], [sflag:$0x1] =	stream.indirect_vreg.gather [hbm4b:s2+s4], $0x80, v3, vm0, $0xb8;
	[tilespmem:$0x1E180] =	vst v63  }
0xed: {  	_ = 	snop  }
0xee: {  	[tilespmem:s5], [sflag:$0x1] =	stream.indirect_vreg.gather [hbm4b:s6+s4], $0x80, v3, vm0, $0xb8;
	[tilespmem:$0x1E180] =	vst v63  }
0xef: {  	s28 =	simm.s32 $0x7100  }
0xf0: {  	[tilespmem:s28], [sflag:$0x1] =	stream.indirect_vreg.gather [hbm4b:s7+s4], $0x80, v3, vm0, $0xb8;
	[tilespmem:$0x1E180] =	vst v63  }
0xf1: {  	_ = 	snop  }
0xf2: {  	[tilespmem:s13], [sflag:$0x1] =	stream.indirect_vreg.gather [hbm4b:s8+s4], $0x80, v3, vm0, $0xb8;
	[tilespmem:$0x1E180] =	vst v63  }
0xf3: {  	v3 =	vld [tilespmem:$0x98];
	_ =	sdelay $0x4  }
0xf4: {  	v57 =	vshll.u32 v3, $0x3  }
0xf5: {  	v3 =	vand.u32 $0x7, v3;
	v4 =	vand.u32 $0xFFFFFFC0, v57  }
0xf6: {  	v3 =	vor.u32 v3, v4  }
0xf7: {  	v4 =	vperm.xlane v3, v0;
	_ =	sdelay $0x1  }
0xf8: {  	v4 =	vadd.s32 v1, v4;
	_ =	sdelay $0x4  }
0xf9: {  	[tilespmem:s15], [sflag:$0x1] =	stream.indirect_vreg.gather [hbm4b:s2+s4], $0x80, v4, vm0, $0xb8;
	[tilespmem:$0x1E180] =	vst v63  }
0xfa: {  	v3 =	vperm.xlane v3, v2  }
0xfb: {  	[tilespmem:s9], [sflag:$0x1] =	stream.indirect_vreg.gather [hbm4b:s6+s4], $0x80, v4, vm0, $0xb8;
	[tilespmem:$0x1E180] =	vst v63  }
0xfc: {  	v3 =	vadd.s32 v1, v3  }
0xfd: {  	[tilespmem:s10], [sflag:$0x1] =	stream.indirect_vreg.gather [hbm4b:s7+s4], $0x80, v4, vm0, $0xb8;
	[tilespmem:$0x1E180] =	vst v63  }
0xfe: {  	_ = 	snop  }
0xff: {  	[tilespmem:s11], [sflag:$0x1] =	stream.indirect_vreg.gather [hbm4b:s8+s4], $0x80, v4, vm0, $0xb8;
	[tilespmem:$0x1E180] =	vst v63  }
0x100: {  	_ = 	snop  }
0x101: {  	[tilespmem:s14], [sflag:$0x1] =	stream.indirect_vreg.gather [hbm4b:s2+s4], $0x80, v3, vm0, $0xb8;
	[tilespmem:$0x1E180] =	vst v63  }
0x102: {  	_ = 	snop  }
0x103: {  	[tilespmem:s16], [sflag:$0x1] =	stream.indirect_vreg.gather [hbm4b:s6+s4], $0x80, v3, vm0, $0xb8;
	[tilespmem:$0x1E180] =	vst v63  }
0x104: {  	_ = 	snop  }
0x105: {  	[tilespmem:s17], [sflag:$0x1] =	stream.indirect_vreg.gather [hbm4b:s7+s4], $0x80, v3, vm0, $0xb8;
	[tilespmem:$0x1E180] =	vst v63  }
0x106: {  	_ = 	snop  }
0x107: {  	[tilespmem:s18], [sflag:$0x1] =	stream.indirect_vreg.gather [hbm4b:s8+s4], $0x80, v3, vm0, $0xb8;
	[tilespmem:$0x1E180] =	vst v63  }
0x108: {  	v3 =	vld [tilespmem:$0xA8];
	_ =	sdelay $0x4  }
0x109: {  	v58 =	vshll.u32 v3, $0x3  }
0x10a: {  	v3 =	vand.u32 $0x7, v3;
	v4 =	vand.u32 $0xFFFFFFC0, v58  }
0x10b: {  	v3 =	vor.u32 v3, v4  }
0x10c: {  	v4 =	vperm.xlane v3, v0;
	_ =	sdelay $0x1  }
0x10d: {  	v4 =	vadd.s32 v1, v4;
	_ =	sdelay $0x4  }
0x10e: {  	[tilespmem:s19], [sflag:$0x1] =	stream.indirect_vreg.gather [hbm4b:s2+s4], $0x80, v4, vm0, $0xb8;
	[tilespmem:$0x1E180] =	vst v63  }
0x10f: {  	v3 =	vperm.xlane v3, v2  }
0x110: {  	[tilespmem:s20], [sflag:$0x1] =	stream.indirect_vreg.gather [hbm4b:s6+s4], $0x80, v4, vm0, $0xb8;
	[tilespmem:$0x1E180] =	vst v63  }
0x111: {  	v3 =	vadd.s32 v1, v3  }
0x112: {  	[tilespmem:s21], [sflag:$0x1] =	stream.indirect_vreg.gather [hbm4b:s7+s4], $0x80, v4, vm0, $0xb8;
	[tilespmem:$0x1E180] =	vst v63  }
0x113: {  	_ = 	snop  }
0x114: {  	[tilespmem:s24], [sflag:$0x1] =	stream.indirect_vreg.gather [hbm4b:s8+s4], $0x80, v4, vm0, $0xb8;
	[tilespmem:$0x1E180] =	vst v63  }
0x115: {  	_ = 	snop  }
0x116: {  	[tilespmem:s22], [sflag:$0x1] =	stream.indirect_vreg.gather [hbm4b:s2+s4], $0x80, v3, vm0, $0xb8;
	[tilespmem:$0x1E180] =	vst v63  }
0x117: {  	s10 =	simm.s32 $0xE900  }
0x118: {  	[tilespmem:s10], [sflag:$0x1] =	stream.indirect_vreg.gather [hbm4b:s6+s4], $0x80, v3, vm0, $0xb8;
	[tilespmem:$0x1E180] =	vst v63  }
0x119: {  	s23 =	simm.s32 $0xF100  }
0x11a: {  	[tilespmem:s23], [sflag:$0x1] =	stream.indirect_vreg.gather [hbm4b:s7+s4], $0x80, v3, vm0, $0xb8;
	[tilespmem:$0x1E180] =	vst v63  }
0x11b: {  	s25 =	simm.s32 $0xF900;
	s5 =	simm.s32 $0x2  }
0x11c: {  	[tilespmem:s25], [sflag:$0x1] =	stream.indirect_vreg.gather [hbm4b:s8+s4], $0x80, v3, vm0, $0xb8;
	[tilespmem:$0x1E180] =	vst v63  }
0x11d: {  	_ =	swait.ge [sflag:s5], $0xE000  }
0x11e: {  	[sflag:s5] =	ssyncset.done $0x0  }
0x11f: {  	s9 =	simm.s32 $0x4;
	s26 =	rddreg [dreg:$0x6];
	[sflag:s5] =	ssyncadd.s32 $0xFFFF2000  }
0x120: {  	[hbm4b:s26+s4] =	stream.linear.scatter [tilespmem:s3], [sflag:$0x4], $0xE000, $0x38;
	[tilespmem:$0x1E180] =	vst v63  }
0x121: {  	_ =	swait.ge [sflag:s9], $0xE000  }
0x122: {  	[sflag:s9] =	ssyncset.done $0x0  }
0x123: {  	[sflag:s9] =	ssyncadd.s32 $0xFFFF2000  }
0x124: {  	v3 =	vld [tilespmem:$0xB8];
	_ =	sdelay $0x4  }
0x125: {  	v59 =	vshll.u32 v3, $0x3  }
0x126: {  	v3 =	vand.u32 $0x7, v3;
	v4 =	vand.u32 $0xFFFFFFC0, v59  }
0x127: {  	v3 =	vor.u32 v3, v4  }
0x128: {  	v4 =	vperm.xlane v3, v0;
	_ =	sdelay $0x1  }
0x129: {  	v4 =	vadd.s32 v1, v4;
	_ =	sdelay $0x4  }
0x12a: {  	[tilespmem:s3], [sflag:$0x2] =	stream.indirect_vreg.gather [hbm4b:s2+s4], $0x80, v4, vm0, $0xb8;
	[tilespmem:$0x1E180] =	vst v63  }
0x12b: {  	s28 =	simm.s32 $0x10900;
	v3 =	vperm.xlane v3, v2  }
0x12c: {  	[tilespmem:s28], [sflag:$0x2] =	stream.indirect_vreg.gather [hbm4b:s6+s4], $0x80, v4, vm0, $0xb8;
	[tilespmem:$0x1E180] =	vst v63  }
0x12d: {  	s23 =	simm.s32 $0x11100;
	v3 =	vadd.s32 v1, v3  }
0x12e: {  	[tilespmem:s23], [sflag:$0x2] =	stream.indirect_vreg.gather [hbm4b:s7+s4], $0x80, v4, vm0, $0xb8;
	[tilespmem:$0x1E180] =	vst v63  }
0x12f: {  	s25 =	simm.s32 $0x11900  }
0x130: {  	[tilespmem:s25], [sflag:$0x2] =	stream.indirect_vreg.gather [hbm4b:s8+s4], $0x80, v4, vm0, $0xb8;
	[tilespmem:$0x1E180] =	vst v63  }
0x131: {  	s26 =	simm.s32 $0x12100  }
0x132: {  	[tilespmem:s26], [sflag:$0x2] =	stream.indirect_vreg.gather [hbm4b:s2+s4], $0x80, v3, vm0, $0xb8;
	[tilespmem:$0x1E180] =	vst v63  }
0x133: {  	s28 =	simm.s32 $0x12900  }
0x134: {  	[tilespmem:s28], [sflag:$0x2] =	stream.indirect_vreg.gather [hbm4b:s6+s4], $0x80, v3, vm0, $0xb8;
	[tilespmem:$0x1E180] =	vst v63  }
0x135: {  	s23 =	simm.s32 $0x13100  }
0x136: {  	[tilespmem:s23], [sflag:$0x2] =	stream.indirect_vreg.gather [hbm4b:s7+s4], $0x80, v3, vm0, $0xb8;
	[tilespmem:$0x1E180] =	vst v63  }
0x137: {  	s25 =	simm.s32 $0x13900  }
0x138: {  	[tilespmem:s25], [sflag:$0x2] =	stream.indirect_vreg.gather [hbm4b:s8+s4], $0x80, v3, vm0, $0xb8;
	[tilespmem:$0x1E180] =	vst v63  }
0x139: {  	v3 =	vld [tilespmem:$0xC8];
	_ =	sdelay $0x4  }
0x13a: {  	v60 =	vshll.u32 v3, $0x3  }
0x13b: {  	v3 =	vand.u32 $0x7, v3;
	v4 =	vand.u32 $0xFFFFFFC0, v60  }
0x13c: {  	v3 =	vor.u32 v3, v4  }
0x13d: {  	v4 =	vperm.xlane v3, v0;
	_ =	sdelay $0x1  }
0x13e: {  	v4 =	vadd.s32 v1, v4;
	_ =	sdelay $0x3  }
0x13f: {  	s26 =	simm.s32 $0x14100  }
0x140: {  	[tilespmem:s26], [sflag:$0x2] =	stream.indirect_vreg.gather [hbm4b:s2+s4], $0x80, v4, vm0, $0xb8;
	[tilespmem:$0x1E180] =	vst v63  }
0x141: {  	s28 =	simm.s32 $0x14900;
	v3 =	vperm.xlane v3, v2  }
0x142: {  	[tilespmem:s28], [sflag:$0x2] =	stream.indirect_vreg.gather [hbm4b:s6+s4], $0x80, v4, vm0, $0xb8;
	[tilespmem:$0x1E180] =	vst v63  }
0x143: {  	s23 =	simm.s32 $0x15100;
	v3 =	vadd.s32 v1, v3  }
0x144: {  	[tilespmem:s23], [sflag:$0x2] =	stream.indirect_vreg.gather [hbm4b:s7+s4], $0x80, v4, vm0, $0xb8;
	[tilespmem:$0x1E180] =	vst v63  }
0x145: {  	s25 =	simm.s32 $0x15900  }
0x146: {  	[tilespmem:s25], [sflag:$0x2] =	stream.indirect_vreg.gather [hbm4b:s8+s4], $0x80, v4, vm0, $0xb8;
	[tilespmem:$0x1E180] =	vst v63  }
0x147: {  	s26 =	simm.s32 $0x16100  }
0x148: {  	[tilespmem:s26], [sflag:$0x2] =	stream.indirect_vreg.gather [hbm4b:s2+s4], $0x80, v3, vm0, $0xb8;
	[tilespmem:$0x1E180] =	vst v63  }
0x149: {  	s28 =	simm.s32 $0x16900  }
0x14a: {  	[tilespmem:s28], [sflag:$0x2] =	stream.indirect_vreg.gather [hbm4b:s6+s4], $0x80, v3, vm0, $0xb8;
	[tilespmem:$0x1E180] =	vst v63  }
0x14b: {  	s23 =	simm.s32 $0x17100  }
0x14c: {  	[tilespmem:s23], [sflag:$0x2] =	stream.indirect_vreg.gather [hbm4b:s7+s4], $0x80, v3, vm0, $0xb8;
	[tilespmem:$0x1E180] =	vst v63  }
0x14d: {  	s25 =	simm.s32 $0x17900  }
0x14e: {  	[tilespmem:s25], [sflag:$0x2] =	stream.indirect_vreg.gather [hbm4b:s8+s4], $0x80, v3, vm0, $0xb8;
	[tilespmem:$0x1E180] =	vst v63  }
0x14f: {  	v3 =	vld [tilespmem:$0xD8];
	_ =	sdelay $0x4  }
0x150: {  	v61 =	vshll.u32 v3, $0x3  }
0x151: {  	v3 =	vand.u32 $0x7, v3;
	v4 =	vand.u32 $0xFFFFFFC0, v61  }
0x152: {  	v3 =	vor.u32 v3, v4  }
0x153: {  	v4 =	vperm.xlane v3, v0;
	_ =	sdelay $0x1  }
0x154: {  	v4 =	vadd.s32 v1, v4;
	_ =	sdelay $0x3  }
0x155: {  	s26 =	simm.s32 $0x18100  }
0x156: {  	[tilespmem:s26], [sflag:$0x2] =	stream.indirect_vreg.gather [hbm4b:s2+s4], $0x80, v4, vm0, $0xb8;
	[tilespmem:$0x1E180] =	vst v63  }
0x157: {  	s28 =	simm.s32 $0x18900;
	v3 =	vperm.xlane v3, v2  }
0x158: {  	[tilespmem:s28], [sflag:$0x2] =	stream.indirect_vreg.gather [hbm4b:s6+s4], $0x80, v4, vm0, $0xb8;
	[tilespmem:$0x1E180] =	vst v63  }
0x159: {  	s23 =	simm.s32 $0x19100;
	v3 =	vadd.s32 v1, v3  }
0x15a: {  	[tilespmem:s23], [sflag:$0x2] =	stream.indirect_vreg.gather [hbm4b:s7+s4], $0x80, v4, vm0, $0xb8;
	[tilespmem:$0x1E180] =	vst v63  }
0x15b: {  	s25 =	simm.s32 $0x19900  }
0x15c: {  	[tilespmem:s25], [sflag:$0x2] =	stream.indirect_vreg.gather [hbm4b:s8+s4], $0x80, v4, vm0, $0xb8;
	[tilespmem:$0x1E180] =	vst v63  }
0x15d: {  	s26 =	simm.s32 $0x1A100  }
0x15e: {  	[tilespmem:s26], [sflag:$0x2] =	stream.indirect_vreg.gather [hbm4b:s2+s4], $0x80, v3, vm0, $0xb8;
	[tilespmem:$0x1E180] =	vst v63  }
0x15f: {  	s28 =	simm.s32 $0x1A900  }
0x160: {  	[tilespmem:s28], [sflag:$0x2] =	stream.indirect_vreg.gather [hbm4b:s6+s4], $0x80, v3, vm0, $0xb8;
	[tilespmem:$0x1E180] =	vst v63  }
0x161: {  	s23 =	simm.s32 $0x1B100  }
0x162: {  	[tilespmem:s23], [sflag:$0x2] =	stream.indirect_vreg.gather [hbm4b:s7+s4], $0x80, v3, vm0, $0xb8;
	[tilespmem:$0x1E180] =	vst v63  }
0x163: {  	s25 =	simm.s32 $0x1B900  }
0x164: {  	[tilespmem:s25], [sflag:$0x2] =	stream.indirect_vreg.gather [hbm4b:s8+s4], $0x80, v3, vm0, $0xb8;
	[tilespmem:$0x1E180] =	vst v63  }
0x165: {  	v3 =	vld.msk [tilespmem:$0xE8], $0xff;
	_ =	sdelay $0x4  }
0x166: {  	v62 =	vshll.u32 v3, $0x3  }
0x167: {  	v3 =	vand.u32 $0x7, v3;
	v4 =	vand.u32 $0xFFFFFFC0, v62  }
0x168: {  	v3 =	vor.u32 v3, v4  }
0x169: {  	v3 =	vperm.xlane v3, v0;
	_ =	sdelay $0x1  }
0x16a: {  	v3 =	vadd.s32 v1, v3;
	_ =	sdelay $0x3  }
0x16b: {  	s26 =	simm.s32 $0x1C100  }
0x16c: {  	[tilespmem:s26], [sflag:$0x2] =	stream.indirect_vreg.gather [hbm4b:s2+s4], $0x80, v3, vm0, $0xb8;
	[tilespmem:$0x1E180] =	vst v63  }
0x16d: {  	s28 =	simm.s32 $0x1C900  }
0x16e: {  	[tilespmem:s28], [sflag:$0x2] =	stream.indirect_vreg.gather [hbm4b:s6+s4], $0x80, v3, vm0, $0xb8;
	[tilespmem:$0x1E180] =	vst v63  }
0x16f: {  	s23 =	simm.s32 $0x1D100  }
0x170: {  	[tilespmem:s23], [sflag:$0x2] =	stream.indirect_vreg.gather [hbm4b:s7+s4], $0x80, v3, vm0, $0xb8;
	[tilespmem:$0x1E180] =	vst v63  }
0x171: {  	s25 =	simm.s32 $0x1D900  }
0x172: {  	[tilespmem:s25], [sflag:$0x2] =	stream.indirect_vreg.gather [hbm4b:s8+s4], $0x80, v3, vm0, $0xb8;
	[tilespmem:$0x1E180] =	vst v63  }
0x173: {  	_ =	swait.ge [sflag:s31], $0x10000  }
0x174: {  	[sflag:s31] =	ssyncset.done $0x0  }
0x175: {  	s26 =	rddreg [dreg:$0x7];
	[sflag:s31] =	ssyncadd.s32 $0xFFFF0000  }
0x176: {  	[hbm4b:s26+s4] =	stream.linear.scatter [tilespmem:s1], [sflag:$0x3], $0x10000, $0x38;
	[tilespmem:$0x1E180] =	vst v63  }
0x177: {  	_ =	swait.ge [sflag:s0], $0x10000  }
0x178: {  	[sflag:s0] =	ssyncset.done $0x0  }
0x179: {  	[sflag:s0] =	ssyncadd.s32 $0xFFFF0000  }
0x17a: {  	v3 =	vld [tilespmem:$0xF0];
	_ =	sdelay $0x4  }
0x17b: {  	v63 =	vshll.u32 v3, $0x3  }
0x17c: {  	v3 =	vand.u32 $0x7, v3;
	v4 =	vand.u32 $0xFFFFFFC0, v63  }
0x17d: {  	v3 =	vor.u32 v3, v4  }
0x17e: {  	v4 =	vperm.xlane v3, v0;
	_ =	sdelay $0x1  }
0x17f: {  	v4 =	vadd.s32 v1, v4;
	_ =	sdelay $0x4  }
0x180: {  	[tilespmem:s1], [sflag:$0x1] =	stream.indirect_vreg.gather [hbm4b:s2+s4], $0x80, v4, vm0, $0xb8;
	[tilespmem:$0x1E180] =	vst v63  }
0x181: {  	s28 =	simm.s32 $0x900;
	v3 =	vperm.xlane v3, v2  }
0x182: {  	[tilespmem:s28], [sflag:$0x1] =	stream.indirect_vreg.gather [hbm4b:s6+s4], $0x80, v4, vm0, $0xb8;
	[tilespmem:$0x1E180] =	vst v63  }
0x183: {  	s23 =	simm.s32 $0x1100;
	v3 =	vadd.s32 v1, v3  }
0x184: {  	[tilespmem:s23], [sflag:$0x1] =	stream.indirect_vreg.gather [hbm4b:s7+s4], $0x80, v4, vm0, $0xb8;
	[tilespmem:$0x1E180] =	vst v63  }
0x185: {  	s25 =	simm.s32 $0x1900  }
0x186: {  	[tilespmem:s25], [sflag:$0x1] =	stream.indirect_vreg.gather [hbm4b:s8+s4], $0x80, v4, vm0, $0xb8;
	[tilespmem:$0x1E180] =	vst v63  }
0x187: {  	s26 =	simm.s32 $0x2100  }
0x188: {  	[tilespmem:s26], [sflag:$0x1] =	stream.indirect_vreg.gather [hbm4b:s2+s4], $0x80, v3, vm0, $0xb8;
	[tilespmem:$0x1E180] =	vst v63  }
0x189: {  	s28 =	simm.s32 $0x2900  }
0x18a: {  	[tilespmem:s28], [sflag:$0x1] =	stream.indirect_vreg.gather [hbm4b:s6+s4], $0x80, v3, vm0, $0xb8;
	[tilespmem:$0x1E180] =	vst v63  }
0x18b: {  	s23 =	simm.s32 $0x3100  }
0x18c: {  	[tilespmem:s23], [sflag:$0x1] =	stream.indirect_vreg.gather [hbm4b:s7+s4], $0x80, v3, vm0, $0xb8;
	[tilespmem:$0x1E180] =	vst v63  }
0x18d: {  	s25 =	simm.s32 $0x3900  }
0x18e: {  	[tilespmem:s25], [sflag:$0x1] =	stream.indirect_vreg.gather [hbm4b:s8+s4], $0x80, v3, vm0, $0xb8;
	[tilespmem:$0x1E180] =	vst v63  }
0x18f: {  	_ =	swait.ge [sflag:s5], $0xE000  }
0x190: {  	[sflag:s5] =	ssyncset.done $0x0  }
0x191: {  	s26 =	rddreg [dreg:$0x8];
	[sflag:s5] =	ssyncadd.s32 $0xFFFF2000  }
0x192: {  	[hbm4b:s26+s4] =	stream.linear.scatter [tilespmem:s3], [sflag:$0x4], $0xE000, $0x38;
	[tilespmem:$0x1E180] =	vst v63  }
0x193: {  	_ =	swait.ge [sflag:s31], $0x4000  }
0x194: {  	[sflag:s31] =	ssyncset.done $0x0  }
0x195: {  	s28 =	rddreg [dreg:$0x9];
	[sflag:s31] =	ssyncadd.s32 $0xFFFFC000  }
0x196: {  	[hbm4b:s28+s4] =	stream.linear.scatter [tilespmem:s1], [sflag:$0x3], $0x4000, $0x38;
	[tilespmem:$0x1E180] =	vst v63  }
0x197: {  	_ =	swait.ge [sflag:s9], $0xE000  }
0x198: {  	[sflag:s9] =	ssyncset.done $0x0  }
0x199: {  	[sflag:s9] =	ssyncadd.s32 $0xFFFF2000  }
0x19a: {  	_ =	swait.ge [sflag:s0], $0x4000  }
0x19b: {  	s25 =	simm.s32 @!p0 $0x0;
	[sflag:s0] =	ssyncset.done $0x0  }
0x19c: {  	s26 =	simm.s32 @!p0 $0x1E100;
	s23 =	rddreg [dreg:$0xa];
	[sflag:s0] =	ssyncadd.s32 $0xFFFFC000  }
0x19d: {  	[tilespmem:s26], [sflag:$0x6] =	stream.linear.gather @!p0 [hbm4b:s23+s25], $0x18, $0x38;
	[tilespmem:$0x1E180] =	vst v63  }
0x19e: {  	s23 =	simm.s32 @!p0 $0x6  }
0x19f: {  	_ =	swait.ge @!p0 [sflag:s23], $0x18  }
0x1a0: {  	[sflag:s23] =	ssyncset.done @!p0 $0x0  }
0x1a1: {  	s28 =	simm.s32 @!p0 $0x100;
	s26 =	rddreg [dreg:$0x4];
	[sflag:s23] =	ssyncadd.s32 @!p0 $0xFFFFFFE8  }
0x1a2: {  	[tilespmem:s28], [sflag:$0x6] =	stream.linear.gather @!p0 [hbm4b:s26+s25], $0x6000, $0x38;
	[tilespmem:$0x1E180] =	vst v63  }
0x1a3: {  	_ =	swait.ge @!p0 [sflag:s23], $0x6000  }
0x1a4: {  	[sflag:s23] =	ssyncset.done @!p0 $0x0  }
0x1a5: {  	[sflag:s23] =	ssyncadd.s32 @!p0 $0xFFFFA000  }
0x1a6: {  	v3 =	vld @!p0 [tilespmem:$0x1E100];
	_ =	sdelay $0x4  }
0x1a7: {  	v4 =	vshll.u32 @!p0 v3, $0x3  }
0x1a8: {  	v5 =	vlaneseq.u32 @!p0;
	v3 =	vand.u32 @!p0 $0x7, v3;
	v4 =	vand.u32 @!p0 $0xFFFFFFC0, v4  }
0x1a9: {  	v6 =	vshrl.u32 @!p0 v5, $0x3;
	v3 =	vor.u32 @!p0 v3, v4;
	v4 =	vand.u32 @!p0 $0x7, v5  }
0x1aa: {  	v6 =	vmul.u32 @!p0 $0x8, v6;
	v7 =	vperm.xlane @!p0 v3, v4;
	_ =	sdelay $0x1  }
0x1ab: {  	v7 =	vadd.s32 @!p0 v6, v7;
	_ =	sdelay $0x3  }
0x1ac: {  	s3 =	rddreg [dreg:$0x2]  }
0x1ad: {  	v5 =	vor.u32 @!p0 $0x8, v5;
	[hbm4b:s3+s25] =	stream.indirect_vreg.scatter @!p0 [tilespmem:s28], [sflag:$0x5], $0x80, v7, vm1, $0xb8;
	[tilespmem:$0x1E180] =	vst v63  }
0x1ae: {  	s5 =	rddreg [dreg:$0xc];
	s23 =	simm.s32 @!p0 $0x900;
	v3 =	vperm.xlane @!p0 v3, v5  }
0x1af: {  	[hbm4b:s5+s25] =	stream.indirect_vreg.scatter @!p0 [tilespmem:s23], [sflag:$0x5], $0x80, v7, vm1, $0xb8;
	[tilespmem:$0x1E180] =	vst v63  }
0x1b0: {  	s9 =	rddreg [dreg:$0xd];
	v3 =	vadd.s32 @!p0 v6, v3;
	s23 =	simm.s32 @!p0 $0x1100  }
0x1b1: {  	[hbm4b:s9+s25] =	stream.indirect_vreg.scatter @!p0 [tilespmem:s23], [sflag:$0x5], $0x80, v7, vm1, $0xb8;
	[tilespmem:$0x1E180] =	vst v63  }
0x1b2: {  	s10 =	rddreg [dreg:$0xe];
	s23 =	simm.s32 @!p0 $0x1900  }
0x1b3: {  	[hbm4b:s10+s25] =	stream.indirect_vreg.scatter @!p0 [tilespmem:s23], [sflag:$0x5], $0x80, v7, vm1, $0xb8;
	[tilespmem:$0x1E180] =	vst v63  }
0x1b4: {  	s23 =	simm.s32 @!p0 $0x2100  }
0x1b5: {  	[hbm4b:s3+s25] =	stream.indirect_vreg.scatter @!p0 [tilespmem:s23], [sflag:$0x5], $0x80, v3, vm1, $0xb8;
	[tilespmem:$0x1E180] =	vst v63  }
0x1b6: {  	s23 =	simm.s32 @!p0 $0x2900  }
0x1b7: {  	[hbm4b:s5+s25] =	stream.indirect_vreg.scatter @!p0 [tilespmem:s23], [sflag:$0x5], $0x80, v3, vm1, $0xb8;
	[tilespmem:$0x1E180] =	vst v63  }
0x1b8: {  	s23 =	simm.s32 @!p0 $0x3100  }
0x1b9: {  	[hbm4b:s9+s25] =	stream.indirect_vreg.scatter @!p0 [tilespmem:s23], [sflag:$0x5], $0x80, v3, vm1, $0xb8;
	[tilespmem:$0x1E180] =	vst v63  }
0x1ba: {  	s23 =	simm.s32 @!p0 $0x3900  }
0x1bb: {  	[hbm4b:s10+s25] =	stream.indirect_vreg.scatter @!p0 [tilespmem:s23], [sflag:$0x5], $0x80, v3, vm1, $0xb8;
	[tilespmem:$0x1E180] =	vst v63  }
0x1bc: {  	v3 =	vld.msk @!p0 [tilespmem:$0x1E110], $0xff;
	_ =	sdelay $0x4  }
0x1bd: {  	v5 =	vshll.u32 @!p0 v3, $0x3  }
0x1be: {  	v3 =	vand.u32 @!p0 $0x7, v3;
	v5 =	vand.u32 @!p0 $0xFFFFFFC0, v5  }
0x1bf: {  	v3 =	vor.u32 @!p0 v3, v5  }
0x1c0: {  	v3 =	vperm.xlane @!p0 v3, v4;
	_ =	sdelay $0x1  }
0x1c1: {  	v3 =	vadd.s32 @!p0 v6, v3;
	_ =	sdelay $0x3  }
0x1c2: {  	s23 =	simm.s32 @!p0 $0x4100  }
0x1c3: {  	[hbm4b:s3+s25] =	stream.indirect_vreg.scatter @!p0 [tilespmem:s23], [sflag:$0x5], $0x80, v3, vm1, $0xb8;
	[tilespmem:$0x1E180] =	vst v63  }
0x1c4: {  	s23 =	simm.s32 @!p0 $0x4900  }
0x1c5: {  	[hbm4b:s5+s25] =	stream.indirect_vreg.scatter @!p0 [tilespmem:s23], [sflag:$0x5], $0x80, v3, vm1, $0xb8;
	[tilespmem:$0x1E180] =	vst v63  }
0x1c6: {  	s12 =	sadd.s32 $0xFFFFFFFF, s12;
	s23 =	simm.s32 @!p0 $0x5100  }
0x1c7: {  	[hbm4b:s9+s25] =	stream.indirect_vreg.scatter @!p0 [tilespmem:s23], [sflag:$0x5], $0x80, v3, vm1, $0xb8;
	[tilespmem:$0x1E180] =	vst v63  }
0x1c8: {  	p1 =	sne.s32 s12, $0x0;
	s23 =	simm.s32 @!p0 $0x5900  }
0x1c9: {  	[hbm4b:s10+s25] =	stream.indirect_vreg.scatter @!p0 [tilespmem:s23], [sflag:$0x5], $0x80, v3, vm1, $0xb8;
	[tilespmem:$0x1E180] =	vst v63  }
.Ltmp0:
0x1ca: {  	_ = 	snop;
	(pc) =	sbr.rel @p1 .LBB2_1-.Ltmp0, $4  }
0x1cb: {  	s23 =	simm.s32 @!p0 $0x5  }
0x1cc: {  	_ =	swait.ge @!p0 [sflag:s23], $0x6000  }
0x1cd: {  	[sflag:s23] =	ssyncset.done @!p0 $0x0  }
0x1ce: {  	[sflag:s23] =	ssyncadd.s32 @!p0 $0xFFFFA000  }
0x1cf: {  	_ =	sfence.sel $0x180000  }
0x1d0: {  	[bflag:$0x0] =	sbarrier.arrive $0xFFFF  }
0x1d1: {  	_ =	strace $0x90000047  }
0x1d2: {  	s0 =	stileid.u32;
	[bflag:$0x2] =	sbarrier.arrive $0xFFFF  }
0x1d3: {  	p0 =	sne.s32 s0, $0x0;
	s0 =	rddreg [dreg:$0x3]  }
0x1d4: {  	s0 =	sadd.s32 @!p0 $0x100000, s0  }
0x1d5: {  	[sflag:s0] =	ssyncadd.tile.s32 @!p0 $0x1;
	_ =	shalt  }
.Lfunc_end2:
_tile_overlayer_lowered:
.L_overlay_start_2:
0x1d6: {  	(tag) =	ssettag $0x2  }
0x1d7: {  	s0 =	rddreg [dreg:$0x0];
	s2 =	stileid.u32  }
0x1d8: {  	s1 =	rddreg [dreg:$0x1];
	p0 =	sne.s32 s2, $0x0  }
0x1d9: {  	s3 =	rddreg [dreg:$0x2];
	[bflag:$0x3] =	sbarrier.arrive $0xFFFF;
	s2 =	simm.s32 @!p0 $0x1C06  }
0x1da: {  	[timem:s3], [sflag:s2] =	dma.local @!p0 [hbm:s0], s1  }
0x1db: {  	s0 =	simm.s32 @!p0 $0x6  }
0x1dc: {  	_ =	swait.ge @!p0 [sflag:s0], s1  }
0x1dd: {  	s1 =	ssub.s32 @!p0 $0x0, s1;
	[sflag:s0] =	ssyncset.done @!p0 $0x0  }
0x1de: {  	[sflag:s0] =	ssyncadd.s32 @!p0 s1  }
0x1df: {  	[bflag:$0x3] =	sbarrier.arrive $0xFFFF  }
0x1e0: {  	_ =	shalt  }

</sc_bundles>
